<compile_context>
chip_gen: v7x
topology: tpu7x:2x2x1
jax: 0.10.2.dev20260603
libtpu: 0.0.44.dev20260713+nightly
codegen_flags: <defaults>
</compile_context>

<pallas_src>
import functools

import jax
import jax.numpy as jnp
from jax import lax
from jax.experimental import pallas as pl
from jax.experimental.pallas import tpu as pltpu
from jax.experimental.pallas import tpu_sc as plsc

_NC = 2
_NS = 16
_NW = _NC * _NS
_K = 128


def _sc_mesh():
    return plsc.VectorSubcoreMesh(
        core_axis_name="c", subcore_axis_name="s",
        num_cores=_NC, num_subcores=_NS)


def _fill_rows(ref, nrows, hp, value):
    vec = jnp.full((16,), value, jnp.float32)

    def fill_row(i, carry):
        for c in range(hp // 16):
            ref[i, pl.ds(16 * c, 16)] = vec
        return carry

    lax.fori_loop(0, nrows, fill_row, 0)


def _make_sc_segment_sum(hp, n_pad, e_pad):
    chunks = e_pad // (_NW * _K)
    rpt = n_pad // _NS
    zr = 64

    @functools.partial(
        pl.kernel,
        out_type=jax.ShapeDtypeStruct((_NC * n_pad, hp), jnp.float32),
        mesh=_sc_mesh(),
        scratch_types=[
            pltpu.VMEM((_K,), jnp.int32),
            pltpu.VMEM((_K,), jnp.int32),
            pltpu.VMEM((_K, hp), jnp.float32),
            pltpu.VMEM((zr, hp), jnp.float32),
            pltpu.VMEM_SHARED((n_pad, hp), jnp.float32),
            pltpu.SemaphoreType.DMA,
        ],
    )
    def sc_kernel(src_hbm, dst_hbm, h_hbm, out_hbm, sidx, didx, rows, zbuf,
                  agg, sem):
        cid = lax.axis_index("c")
        sid = lax.axis_index("s")
        wid = sid * _NC + cid
        _fill_rows(zbuf, zr, hp, 0.0)

        base_r = sid * rpt

        def zcopy(i, carry):
            pltpu.sync_copy(zbuf, agg.at[pl.ds(base_r + i * zr, zr)])
            return carry

        lax.fori_loop(0, rpt // zr, zcopy, 0)
        plsc.subcore_barrier()

        def body(i, carry):
            base = (wid * chunks + i) * _K
            pltpu.sync_copy(src_hbm.at[pl.ds(base, _K)], sidx)
            pltpu.sync_copy(dst_hbm.at[pl.ds(base, _K)], didx)
            pltpu.async_copy(h_hbm.at[sidx], rows, sem).wait()
            pltpu.sync_copy(rows, agg.at[didx], add=True)
            return carry

        lax.fori_loop(0, chunks, body, 0)
        plsc.subcore_barrier()

        pltpu.sync_copy(
            agg.at[pl.ds(base_r, rpt)],
            out_hbm.at[pl.ds(cid * n_pad + base_r, rpt)])

    return sc_kernel


def _make_sc_degree(hp, n_pad, e_pad):
    chunks = e_pad // (_NW * _K)
    rpt = n_pad // _NS
    zr = 64

    @functools.partial(
        pl.kernel,
        out_type=jax.ShapeDtypeStruct((_NC * n_pad, hp), jnp.float32),
        mesh=_sc_mesh(),
        scratch_types=[
            pltpu.VMEM((_K,), jnp.int32),
            pltpu.VMEM((_K, hp), jnp.float32),
            pltpu.VMEM((zr, hp), jnp.float32),
            pltpu.VMEM_SHARED((n_pad, hp), jnp.float32),
        ],
    )
    def sc_kernel(dst_hbm, out_hbm, didx, ones, zbuf, cnt):
        cid = lax.axis_index("c")
        sid = lax.axis_index("s")
        wid = sid * _NC + cid
        _fill_rows(zbuf, zr, hp, 0.0)
        _fill_rows(ones, _K, hp, 1.0)

        base_r = sid * rpt

        def zcopy(i, carry):
            pltpu.sync_copy(zbuf, cnt.at[pl.ds(base_r + i * zr, zr)])
            return carry

        lax.fori_loop(0, rpt // zr, zcopy, 0)
        plsc.subcore_barrier()

        def body(i, carry):
            base = (wid * chunks + i) * _K
            pltpu.sync_copy(dst_hbm.at[pl.ds(base, _K)], didx)
            pltpu.sync_copy(ones, cnt.at[didx], add=True)
            return carry

        lax.fori_loop(0, chunks, body, 0)
        plsc.subcore_barrier()

        pltpu.sync_copy(
            cnt.at[pl.ds(base_r, rpt)],
            out_hbm.at[pl.ds(cid * n_pad + base_r, rpt)])

    return sc_kernel


def kernel(x, edge_index, lin1_W, lin1_b, Ws, Wn, bn,
           cls_W1, cls_b1, cls_W2, cls_b2):
    n, d = x.shape
    h = lin1_W.shape[1]
    num_layers = Ws.shape[0]
    c_out = cls_W2.shape[1]
    e = edge_index.shape[1]

    n_pad = ((n // (_NS * 16)) + 1) * (_NS * 16)
    chunks = -(-e // (_NW * _K))
    e_pad = _NW * _K * chunks
    r = 1000
    grid_n = n // r

    src = edge_index[0].astype(jnp.int32)
    dst = edge_index[1].astype(jnp.int32)
    pad = e_pad - e
    src_p = jnp.concatenate([src, jnp.zeros((pad,), jnp.int32)])
    dst_p = jnp.concatenate([dst, jnp.full((pad,), n, jnp.int32)])

    def lin1_body(x_ref, w_ref, b_ref, out_ref):
        out_ref[...] = jnp.dot(x_ref[...], w_ref[...],
                               preferred_element_type=jnp.float32) + b_ref[...]

    h0 = pl.pallas_call(
        lin1_body,
        grid=(grid_n,),
        in_specs=[
            pl.BlockSpec((r, d), lambda i: (i, 0)),
            pl.BlockSpec((d, h), lambda i: (0, 0)),
            pl.BlockSpec((1, h), lambda i: (0, 0)),
        ],
        out_specs=pl.BlockSpec((r, h), lambda i: (i, 0)),
        out_shape=jax.ShapeDtypeStruct((n, h), jnp.float32),
    )(x, lin1_W, lin1_b.reshape(1, h))

    sc_plain = _make_sc_segment_sum(h, n_pad, e_pad)
    sc_deg = _make_sc_degree(h, n_pad, e_pad)

    pdeg = sc_deg(dst_p).reshape(_NC, n_pad, h)
    p1 = sc_plain(src_p, dst_p, h0).reshape(_NC, n_pad, h)

    def sage1_body(h_ref, p_ref, pdeg_ref, ws_ref, wn_ref, bn_ref,
                   h_out, deg_out):
        hv = h_ref[...]
        p = p_ref[...]
        agg = p[0] + p[1]
        pd = pdeg_ref[...]
        deg = jnp.maximum(pd[0][:, :1] + pd[1][:, :1], 1.0)
        mean = agg / deg
        hn = jax.nn.relu(
            jnp.dot(hv, ws_ref[...], preferred_element_type=jnp.float32)
            + jnp.dot(mean, wn_ref[...], preferred_element_type=jnp.float32)
            + bn_ref[...])
        h_out[...] = hn
        deg_out[...] = jnp.broadcast_to(deg, (r, h))

    h1, deg = pl.pallas_call(
        sage1_body,
        grid=(grid_n,),
        in_specs=[
            pl.BlockSpec((r, h), lambda i: (i, 0)),
            pl.BlockSpec((_NC, r, h), lambda i: (0, i, 0)),
            pl.BlockSpec((_NC, r, h), lambda i: (0, i, 0)),
            pl.BlockSpec((h, h), lambda i: (0, 0)),
            pl.BlockSpec((h, h), lambda i: (0, 0)),
            pl.BlockSpec((1, h), lambda i: (0, 0)),
        ],
        out_specs=[
            pl.BlockSpec((r, h), lambda i: (i, 0)),
            pl.BlockSpec((r, h), lambda i: (i, 0)),
        ],
        out_shape=[
            jax.ShapeDtypeStruct((n, h), jnp.float32),
            jax.ShapeDtypeStruct((n, h), jnp.float32),
        ],
    )(h0, p1, pdeg, Ws[0], Wn[0], bn[0].reshape(1, h))

    p2 = sc_plain(src_p, dst_p, h1).reshape(_NC, n_pad, h)

    def sage2_body(h_ref, p_ref, deg_ref, ws_ref, wn_ref, bn_ref,
                   h_out, x5_out):
        p = p_ref[...]
        mean = (p[0] + p[1]) / deg_ref[...]
        hv = h_ref[...]
        hn = jax.nn.relu(
            jnp.dot(hv, ws_ref[...], preferred_element_type=jnp.float32)
            + jnp.dot(mean, wn_ref[...], preferred_element_type=jnp.float32)
            + bn_ref[...])
        h_out[...] = hn
        x5_out[...] = jnp.maximum(hv, hn)

    h2, x5 = pl.pallas_call(
        sage2_body,
        grid=(grid_n,),
        in_specs=[
            pl.BlockSpec((r, h), lambda i: (i, 0)),
            pl.BlockSpec((_NC, r, h), lambda i: (0, i, 0)),
            pl.BlockSpec((r, h), lambda i: (i, 0)),
            pl.BlockSpec((h, h), lambda i: (0, 0)),
            pl.BlockSpec((h, h), lambda i: (0, 0)),
            pl.BlockSpec((1, h), lambda i: (0, 0)),
        ],
        out_specs=[
            pl.BlockSpec((r, h), lambda i: (i, 0)),
            pl.BlockSpec((r, h), lambda i: (i, 0)),
        ],
        out_shape=[
            jax.ShapeDtypeStruct((n, h), jnp.float32),
            jax.ShapeDtypeStruct((n, h), jnp.float32),
        ],
    )(h1, p2, deg, Ws[1], Wn[1], bn[1].reshape(1, h))

    p3 = sc_plain(src_p, dst_p, h2).reshape(_NC, n_pad, h)

    w2p = jnp.pad(cls_W2, ((0, 0), (0, h - c_out)))
    b2p = jnp.pad(cls_b2, (0, h - c_out)).reshape(1, h)

    def sage3_body(h_ref, x5_ref, p_ref, deg_ref, ws_ref, wn_ref, bn_ref,
                   w1_ref, b1_ref, w2_ref, b2_ref, out_ref):
        p = p_ref[...]
        mean = (p[0] + p[1]) / deg_ref[...]
        hv = h_ref[...]
        hn = jax.nn.relu(
            jnp.dot(hv, ws_ref[...], preferred_element_type=jnp.float32)
            + jnp.dot(mean, wn_ref[...], preferred_element_type=jnp.float32)
            + bn_ref[...])
        x5v = jnp.maximum(x5_ref[...], hn)
        hid = jax.nn.relu(
            jnp.dot(x5v, w1_ref[...], preferred_element_type=jnp.float32)
            + b1_ref[...])
        out_ref[...] = jnp.dot(
            hid, w2_ref[...], preferred_element_type=jnp.float32) + b2_ref[...]

    logits_pad = pl.pallas_call(
        sage3_body,
        grid=(grid_n,),
        in_specs=[
            pl.BlockSpec((r, h), lambda i: (i, 0)),
            pl.BlockSpec((r, h), lambda i: (i, 0)),
            pl.BlockSpec((_NC, r, h), lambda i: (0, i, 0)),
            pl.BlockSpec((r, h), lambda i: (i, 0)),
            pl.BlockSpec((h, h), lambda i: (0, 0)),
            pl.BlockSpec((h, h), lambda i: (0, 0)),
            pl.BlockSpec((1, h), lambda i: (0, 0)),
            pl.BlockSpec((h, h), lambda i: (0, 0)),
            pl.BlockSpec((1, h), lambda i: (0, 0)),
            pl.BlockSpec((h, h), lambda i: (0, 0)),
            pl.BlockSpec((1, h), lambda i: (0, 0)),
        ],
        out_specs=pl.BlockSpec((r, h), lambda i: (i, 0)),
        out_shape=jax.ShapeDtypeStruct((n, h), jnp.float32),
    )(h2, x5, p3, deg, Ws[2], Wn[2], bn[2].reshape(1, h),
      cls_W1, cls_b1.reshape(1, h), w2p, b2p)

    return logits_pad[:, :c_out]

# --- scband reference (transcript-rebuilt; emitter-appended) ---
"""Pipeline reference for scband-network-gnn-2826088480982 (READ-ONLY COPY).

The authoritative reference and input builder live on the scoring server;
editing this copy changes nothing except your own understanding.
"""

import jax, jax.numpy as jnp
import numpy as np

N = 10000
E = 320000
D = 128   # in_dim
H = 128   # hidden_size
C = 40    # out_dim
L = 3     # num_layers


def setup_inputs(seed: int = 0) -> dict:
    key = jax.random.key(seed)
    ks = jax.random.split(key, 16)
    x = jax.random.normal(ks[0], (N, D), dtype=jnp.float32)
    edge_index = jax.random.randint(ks[1], (2, E), 0, N)
    s_in = 1.0 / np.sqrt(D)
    s_h = 1.0 / np.sqrt(H)
    lin1_W = jax.random.uniform(ks[2], (D, H), jnp.float32, -s_in, s_in)
    lin1_b = jax.random.uniform(ks[3], (H,), jnp.float32, -s_in, s_in)
    # SAGE layers: h' = h @ Ws + mean_agg(h) @ Wn + bn (stacked over L layers)
    Ws = jax.random.uniform(ks[4], (L, H, H), jnp.float32, -s_h, s_h)
    Wn = jax.random.uniform(ks[5], (L, H, H), jnp.float32, -s_h, s_h)
    bn = jax.random.uniform(ks[6], (L, H), jnp.float32, -s_h, s_h)
    cls_W1 = jax.random.uniform(ks[7], (H, H), jnp.float32, -s_h, s_h)
    cls_b1 = jax.random.uniform(ks[8], (H,), jnp.float32, -s_h, s_h)
    cls_W2 = jax.random.uniform(ks[9], (H, C), jnp.float32, -s_h, s_h)
    cls_b2 = jax.random.uniform(ks[10], (C,), jnp.float32, -s_h, s_h)
    return {
        "x": x, "edge_index": edge_index,
        "lin1_W": lin1_W, "lin1_b": lin1_b,
        "Ws": Ws, "Wn": Wn, "bn": bn,
        "cls_W1": cls_W1, "cls_b1": cls_b1,
        "cls_W2": cls_W2, "cls_b2": cls_b2,
    }


def reference(x, edge_index, lin1_W, lin1_b, Ws, Wn, bn, cls_W1, cls_b1, cls_W2, cls_b2):
    # NetworkGNN.forward in eval mode (dropout = identity).
    src = edge_index[0]
    dst = edge_index[1]
    h = x @ lin1_W + lin1_b  # self.lin1
    deg = jax.ops.segment_sum(jnp.ones((E, 1), h.dtype), dst, num_segments=N)
    deg = jnp.maximum(deg, 1.0)
    js = []
    for i in range(L):
        # NaOp 'sage' with relu act, with_linear=False: mean-aggregate neighbors
        msgs = h[src]  # gather  [E, H]
        agg = jax.ops.segment_sum(msgs, dst, num_segments=N)  # scatter-add
        mean = agg / deg
        h = jax.nn.relu(h @ Ws[i] + mean @ Wn[i] + bn[i])
        # ScOp 'skip' = identity; fix_last keeps last layer as-is too
        js.append(h)
    # LaOp 'l_max' with linear act: elementwise max over layer outputs
    x5 = js[0]
    for j in js[1:]:
        x5 = jnp.maximum(x5, j)
    hidden = jax.nn.relu(x5 @ cls_W1 + cls_b1)
    logits = hidden @ cls_W2 + cls_b2
    return logits

if __name__ == "__main__":
    import jax
    _d = setup_inputs()
    print(jax.jit(kernel)(*tuple(_d.values())))

</pallas_src>

<mosaic_0001>
#map = affine_map<(d0, d1) -> (0)>
#map1 = affine_map<(d0, d1) -> (0, 0)>
module attributes {stable_mosaic.version = 14 : i64} {
  func.func @sc_kernel(%arg0: i32, %arg1: i32, %arg2: memref<323584xi32, #tpu.memory_space<hbm>>, %arg3: memref<323584xi32, #tpu.memory_space<hbm>>, %arg4: memref<10000x128xf32, #tpu.memory_space<hbm>>, %arg5: memref<20480x128xf32, #tpu.memory_space<hbm>>, %arg6: memref<128xi32, #tpu.memory_space<vmem>>, %arg7: memref<128xi32, #tpu.memory_space<vmem>>, %arg8: memref<128x128xf32, #tpu.memory_space<vmem>>, %arg9: memref<64x128xf32, #tpu.memory_space<vmem>>, %arg10: memref<10240x128xf32, #tpu.memory_space<vmem_shared>>, %arg11: memref<!tpu.dma_semaphore, #tpu.memory_space<semaphore_mem>>) attributes {dimension_semantics = [#tpu.dimension_semantics<core_parallel>, #tpu.dimension_semantics<subcore_parallel>], iteration_bounds = array<i64: 2, 16>, scalar_prefetch = 0 : i64, scratch_operands = 6 : i64, tpu.core_type = #tpu.core_type<sc_vector_subcore>, window_params = [{transform_indices = #map}, {transform_indices = #map}, {transform_indices = #map1}, {transform_indices = #map1}]} {
    %mul3A = arith.constant 2 : i32
    %mul3A_0 = arith.muli %arg1, %mul3A : i32
    %add3A = arith.addi %mul3A_0, %arg0 : i32
    %broadcast_in_dim3A = arith.constant 0.000000e+00 : f32
    %broadcast_in_dim3A_1 = vector.broadcast %broadcast_in_dim3A : f32 to vector<16xf32>
    %scan3A = arith.constant 0 : i32
    %scan3A_2 = arith.constant 0 : i32
    %scan3A_3 = arith.constant 64 : i32
    %scan3A_4 = arith.addi %scan3A_2, %scan3A_3 : i32
    %scan3A_5 = arith.constant 1 : i32
    scf.for %scan3A_25 = %scan3A_2 to %scan3A_4 step %scan3A_5  : i32 {
      %swap3A = arith.index_cast %scan3A_25 : i32 to index
      %swap3A_26 = arith.constant 0 : index
      %swap3A_27 = tpu.vector_load %arg9[%swap3A, %swap3A_26] {strides = array<i32>} : memref<64x128xf32, #tpu.memory_space<vmem>>, vector<1x16xf32>,
      %swap3A_28 = vector.shape_cast %swap3A_27 : vector<1x16xf32> to vector<16xf32>
      %swap3A_29 = vector.shape_cast %broadcast_in_dim3A_1 : vector<16xf32> to vector<1x16xf32>
      tpu.vector_store %arg9[%swap3A, %swap3A_26], %swap3A_29 {strides = array<i32>} : memref<64x128xf32, #tpu.memory_space<vmem>>, vector<1x16xf32>,
      %swap3A_30 = arith.index_cast %scan3A_25 : i32 to index
      %swap3A_31 = arith.constant 16 : index
      %swap3A_32 = tpu.vector_load %arg9[%swap3A_30, %swap3A_31] {strides = array<i32>} : memref<64x128xf32, #tpu.memory_space<vmem>>, vector<1x16xf32>,
      %swap3A_33 = vector.shape_cast %swap3A_32 : vector<1x16xf32> to vector<16xf32>
      %swap3A_34 = vector.shape_cast %broadcast_in_dim3A_1 : vector<16xf32> to vector<1x16xf32>
      tpu.vector_store %arg9[%swap3A_30, %swap3A_31], %swap3A_34 {strides = array<i32>} : memref<64x128xf32, #tpu.memory_space<vmem>>, vector<1x16xf32>,
      %swap3A_35 = arith.index_cast %scan3A_25 : i32 to index
      %swap3A_36 = arith.constant 32 : index
      %swap3A_37 = tpu.vector_load %arg9[%swap3A_35, %swap3A_36] {strides = array<i32>} : memref<64x128xf32, #tpu.memory_space<vmem>>, vector<1x16xf32>,
      %swap3A_38 = vector.shape_cast %swap3A_37 : vector<1x16xf32> to vector<16xf32>
      %swap3A_39 = vector.shape_cast %broadcast_in_dim3A_1 : vector<16xf32> to vector<1x16xf32>
      tpu.vector_store %arg9[%swap3A_35, %swap3A_36], %swap3A_39 {strides = array<i32>} : memref<64x128xf32, #tpu.memory_space<vmem>>, vector<1x16xf32>,
      %swap3A_40 = arith.index_cast %scan3A_25 : i32 to index
      %swap3A_41 = arith.constant 48 : index
      %swap3A_42 = tpu.vector_load %arg9[%swap3A_40, %swap3A_41] {strides = array<i32>} : memref<64x128xf32, #tpu.memory_space<vmem>>, vector<1x16xf32>,
      %swap3A_43 = vector.shape_cast %swap3A_42 : vector<1x16xf32> to vector<16xf32>
      %swap3A_44 = vector.shape_cast %broadcast_in_dim3A_1 : vector<16xf32> to vector<1x16xf32>
      tpu.vector_store %arg9[%swap3A_40, %swap3A_41], %swap3A_44 {strides = array<i32>} : memref<64x128xf32, #tpu.memory_space<vmem>>, vector<1x16xf32>,
      %swap3A_45 = arith.index_cast %scan3A_25 : i32 to index
      %swap3A_46 = arith.constant 64 : index
      %swap3A_47 = tpu.vector_load %arg9[%swap3A_45, %swap3A_46] {strides = array<i32>} : memref<64x128xf32, #tpu.memory_space<vmem>>, vector<1x16xf32>,
      %swap3A_48 = vector.shape_cast %swap3A_47 : vector<1x16xf32> to vector<16xf32>
      %swap3A_49 = vector.shape_cast %broadcast_in_dim3A_1 : vector<16xf32> to vector<1x16xf32>
      tpu.vector_store %arg9[%swap3A_45, %swap3A_46], %swap3A_49 {strides = array<i32>} : memref<64x128xf32, #tpu.memory_space<vmem>>, vector<1x16xf32>,
      %swap3A_50 = arith.index_cast %scan3A_25 : i32 to index
      %swap3A_51 = arith.constant 80 : index
      %swap3A_52 = tpu.vector_load %arg9[%swap3A_50, %swap3A_51] {strides = array<i32>} : memref<64x128xf32, #tpu.memory_space<vmem>>, vector<1x16xf32>,
      %swap3A_53 = vector.shape_cast %swap3A_52 : vector<1x16xf32> to vector<16xf32>
      %swap3A_54 = vector.shape_cast %broadcast_in_dim3A_1 : vector<16xf32> to vector<1x16xf32>
      tpu.vector_store %arg9[%swap3A_50, %swap3A_51], %swap3A_54 {strides = array<i32>} : memref<64x128xf32, #tpu.memory_space<vmem>>, vector<1x16xf32>,
      %swap3A_55 = arith.index_cast %scan3A_25 : i32 to index
      %swap3A_56 = arith.constant 96 : index
      %swap3A_57 = tpu.vector_load %arg9[%swap3A_55, %swap3A_56] {strides = array<i32>} : memref<64x128xf32, #tpu.memory_space<vmem>>, vector<1x16xf32>,
      %swap3A_58 = vector.shape_cast %swap3A_57 : vector<1x16xf32> to vector<16xf32>
      %swap3A_59 = vector.shape_cast %broadcast_in_dim3A_1 : vector<16xf32> to vector<1x16xf32>
      tpu.vector_store %arg9[%swap3A_55, %swap3A_56], %swap3A_59 {strides = array<i32>} : memref<64x128xf32, #tpu.memory_space<vmem>>, vector<1x16xf32>,
      %swap3A_60 = arith.index_cast %scan3A_25 : i32 to index
      %swap3A_61 = arith.constant 112 : index
      %swap3A_62 = tpu.vector_load %arg9[%swap3A_60, %swap3A_61] {strides = array<i32>} : memref<64x128xf32, #tpu.memory_space<vmem>>, vector<1x16xf32>,
      %swap3A_63 = vector.shape_cast %swap3A_62 : vector<1x16xf32> to vector<16xf32>
      %swap3A_64 = vector.shape_cast %broadcast_in_dim3A_1 : vector<16xf32> to vector<1x16xf32>
      tpu.vector_store %arg9[%swap3A_60, %swap3A_61], %swap3A_64 {strides = array<i32>} : memref<64x128xf32, #tpu.memory_space<vmem>>, vector<1x16xf32>,
    }
    %scan3A_6 = arith.constant 64 : i32
    %mul3A_7 = arith.constant 640 : i32
    %mul3A_8 = arith.muli %arg1, %mul3A_7 : i32
    %scan3A_9 = arith.constant 0 : i32
    %scan3A_10 = arith.constant 0 : i32
    %scan3A_11 = arith.constant 10 : i32
    %scan3A_12 = arith.addi %scan3A_10, %scan3A_11 : i32
    %scan3A_13 = arith.constant 1 : i32
    scf.for %scan3A_25 = %scan3A_10 to %scan3A_12 step %scan3A_13  : i32 {
      %mul3A_26 = arith.constant 64 : i32
      %mul3A_27 = arith.muli %scan3A_25, %mul3A_26 : i32
      %add3A_28 = arith.addi %mul3A_8, %mul3A_27 : i32
      "tpu.region"() ({
        %run_scoped3A = tpu.sem_alloc : memref<!tpu.dma_semaphore, #tpu.memory_space<semaphore_mem>>
        %dma_start3A = arith.constant 0 : i32
        %dma_start3A_29 = tpu.memref_slice %arg10[%add3A_28, %dma_start3A] : memref<10240x128xf32, #tpu.memory_space<vmem_shared>> -> memref<64x128xf32, #tpu.memory_space<vmem_shared>>
        %dma_start3A_30 = arith.constant 0 : i32
        %dma_start3A_31 = tpu.memref_slice %arg10[%add3A_28, %dma_start3A_30] : memref<10240x128xf32, #tpu.memory_space<vmem_shared>> -> memref<64x128xf32, #tpu.memory_space<vmem_shared>>
        tpu.enqueue_dma source(%arg9 : memref<64x128xf32, #tpu.memory_space<vmem>>) target(%dma_start3A_31 : memref<64x128xf32, #tpu.memory_space<vmem_shared>>) target_semaphore(%run_scoped3A : memref<!tpu.dma_semaphore, #tpu.memory_space<semaphore_mem>>)
        %dma_wait3A = arith.constant 0 : i32
        %dma_wait3A_32 = tpu.memref_slice %arg10[%add3A_28, %dma_wait3A] : memref<10240x128xf32, #tpu.memory_space<vmem_shared>> -> memref<64x128xf32, #tpu.memory_space<vmem_shared>>
        %dma_wait3A_33 = arith.constant 0 : i32
        %dma_wait3A_34 = tpu.memref_slice %arg10[%add3A_28, %dma_wait3A_33] : memref<10240x128xf32, #tpu.memory_space<vmem_shared>> -> memref<64x128xf32, #tpu.memory_space<vmem_shared>>
        tpu.wait_dma2 semaphore(%run_scoped3A : memref<!tpu.dma_semaphore, #tpu.memory_space<semaphore_mem>>) src(%arg9 : memref<64x128xf32, #tpu.memory_space<vmem>>) dst(%dma_wait3A_34 : memref<64x128xf32, #tpu.memory_space<vmem_shared>>)
        tpu.yield
      }) : () -> ()
    }
    %scan3A_14 = arith.constant 10 : i32
    %barrier3A = arith.constant 0 : index
    tpu.barrier barrier_id(%barrier3A)
    %scan3A_15 = arith.constant 0 : i32
    %scan3A_16 = arith.constant 0 : i32
    %scan3A_17 = arith.constant 79 : i32
    %scan3A_18 = arith.addi %scan3A_16, %scan3A_17 : i32
    %scan3A_19 = arith.constant 1 : i32
    scf.for %scan3A_25 = %scan3A_16 to %scan3A_18 step %scan3A_19  : i32 {
      %mul3A_26 = arith.constant 79 : i32
      %mul3A_27 = arith.muli %add3A, %mul3A_26 : i32
      %add3A_28 = arith.addi %mul3A_27, %scan3A_25 : i32
      %mul3A_29 = arith.constant 128 : i32
      %mul3A_30 = arith.muli %add3A_28, %mul3A_29 : i32
      "tpu.region"() ({
        %run_scoped3A = tpu.sem_alloc : memref<!tpu.dma_semaphore, #tpu.memory_space<semaphore_mem>>
        %dma_start3A_35 = tpu.memref_slice %arg2[%mul3A_30] : memref<323584xi32, #tpu.memory_space<hbm>> -> memref<128xi32, #tpu.memory_space<hbm>>
        %dma_start3A_36 = tpu.memref_slice %arg2[%mul3A_30] : memref<323584xi32, #tpu.memory_space<hbm>> -> memref<128xi32, #tpu.memory_space<hbm>>
        tpu.enqueue_dma source(%dma_start3A_36 : memref<128xi32, #tpu.memory_space<hbm>>) target(%arg6 : memref<128xi32, #tpu.memory_space<vmem>>) target_semaphore(%run_scoped3A : memref<!tpu.dma_semaphore, #tpu.memory_space<semaphore_mem>>)
        %dma_wait3A_37 = tpu.memref_slice %arg2[%mul3A_30] : memref<323584xi32, #tpu.memory_space<hbm>> -> memref<128xi32, #tpu.memory_space<hbm>>
        %dma_wait3A_38 = tpu.memref_slice %arg2[%mul3A_30] : memref<323584xi32, #tpu.memory_space<hbm>> -> memref<128xi32, #tpu.memory_space<hbm>>
        tpu.wait_dma2 semaphore(%run_scoped3A : memref<!tpu.dma_semaphore, #tpu.memory_space<semaphore_mem>>) src(%dma_wait3A_38 : memref<128xi32, #tpu.memory_space<hbm>>) dst(%arg6 : memref<128xi32, #tpu.memory_space<vmem>>)
        tpu.yield
      }) : () -> ()
      "tpu.region"() ({
        %run_scoped3A = tpu.sem_alloc : memref<!tpu.dma_semaphore, #tpu.memory_space<semaphore_mem>>
        %dma_start3A_35 = tpu.memref_slice %arg3[%mul3A_30] : memref<323584xi32, #tpu.memory_space<hbm>> -> memref<128xi32, #tpu.memory_space<hbm>>
        %dma_start3A_36 = tpu.memref_slice %arg3[%mul3A_30] : memref<323584xi32, #tpu.memory_space<hbm>> -> memref<128xi32, #tpu.memory_space<hbm>>
        tpu.enqueue_dma source(%dma_start3A_36 : memref<128xi32, #tpu.memory_space<hbm>>) target(%arg7 : memref<128xi32, #tpu.memory_space<vmem>>) target_semaphore(%run_scoped3A : memref<!tpu.dma_semaphore, #tpu.memory_space<semaphore_mem>>)
        %dma_wait3A_37 = tpu.memref_slice %arg3[%mul3A_30] : memref<323584xi32, #tpu.memory_space<hbm>> -> memref<128xi32, #tpu.memory_space<hbm>>
        %dma_wait3A_38 = tpu.memref_slice %arg3[%mul3A_30] : memref<323584xi32, #tpu.memory_space<hbm>> -> memref<128xi32, #tpu.memory_space<hbm>>
        tpu.wait_dma2 semaphore(%run_scoped3A : memref<!tpu.dma_semaphore, #tpu.memory_space<semaphore_mem>>) src(%dma_wait3A_38 : memref<128xi32, #tpu.memory_space<hbm>>) dst(%arg7 : memref<128xi32, #tpu.memory_space<vmem>>)
        tpu.yield
      }) : () -> ()
      %dma_start3A = arith.constant 0 : i32
      %dma_start3A_31 = arith.constant 0 : i32
      %dma_start3A_32 = tpu.memref_slice %arg4[%dma_start3A, %dma_start3A_31] : memref<10000x128xf32, #tpu.memory_space<hbm>> -> memref<10000x128xf32, #tpu.memory_space<hbm>>
      tpu.enqueue_indirect_dma source(%dma_start3A_32 : memref<10000x128xf32, #tpu.memory_space<hbm>>) target(%arg8 : memref<128x128xf32, #tpu.memory_space<vmem>>) offsets(%arg6 : memref<128xi32, #tpu.memory_space<vmem>>) semaphore(%arg11 : memref<!tpu.dma_semaphore, #tpu.memory_space<semaphore_mem>>)
      %dma_wait3A = arith.constant 0 : i32
      %dma_wait3A_33 = arith.constant 0 : i32
      %dma_wait3A_34 = tpu.memref_slice %arg4[%dma_wait3A, %dma_wait3A_33] : memref<10000x128xf32, #tpu.memory_space<hbm>> -> memref<10000x128xf32, #tpu.memory_space<hbm>>
      tpu.wait_indirect_dma semaphore(%arg11 : memref<!tpu.dma_semaphore, #tpu.memory_space<semaphore_mem>>) src(%dma_wait3A_34 : memref<10000x128xf32, #tpu.memory_space<hbm>>) dst(%arg8 : memref<128x128xf32, #tpu.memory_space<vmem>>)
      "tpu.region"() ({
        %run_scoped3A = tpu.sem_alloc : memref<!tpu.dma_semaphore, #tpu.memory_space<semaphore_mem>>
        %dma_start3A_35 = arith.constant 0 : i32
        %dma_start3A_36 = arith.constant 0 : i32
        %dma_start3A_37 = tpu.memref_slice %arg10[%dma_start3A_35, %dma_start3A_36] : memref<10240x128xf32, #tpu.memory_space<vmem_shared>> -> memref<10240x128xf32, #tpu.memory_space<vmem_shared>>
        tpu.enqueue_indirect_dma source(%arg8 : memref<128x128xf32, #tpu.memory_space<vmem>>) target(%dma_start3A_37 : memref<10240x128xf32, #tpu.memory_space<vmem_shared>>) offsets(%arg7 : memref<128xi32, #tpu.memory_space<vmem>>) semaphore(%run_scoped3A : memref<!tpu.dma_semaphore, #tpu.memory_space<semaphore_mem>>) {add = true}
        %dma_wait3A_38 = arith.constant 0 : i32
        %dma_wait3A_39 = arith.constant 0 : i32
        %dma_wait3A_40 = tpu.memref_slice %arg10[%dma_wait3A_38, %dma_wait3A_39] : memref<10240x128xf32, #tpu.memory_space<vmem_shared>> -> memref<10240x128xf32, #tpu.memory_space<vmem_shared>>
        tpu.wait_indirect_dma semaphore(%run_scoped3A : memref<!tpu.dma_semaphore, #tpu.memory_space<semaphore_mem>>) src(%arg8 : memref<128x128xf32, #tpu.memory_space<vmem>>) dst(%dma_wait3A_40 : memref<10240x128xf32, #tpu.memory_space<vmem_shared>>)
        tpu.yield
      }) : () -> ()
    }
    %scan3A_20 = arith.constant 79 : i32
    %barrier3A_21 = arith.constant 0 : index
    tpu.barrier barrier_id(%barrier3A_21)
    %mul3A_22 = arith.constant 10240 : i32
    %mul3A_23 = arith.muli %arg0, %mul3A_22 : i32
    %add3A_24 = arith.addi %mul3A_23, %mul3A_8 : i32
    "tpu.region"() ({
      %run_scoped3A = tpu.sem_alloc : memref<!tpu.dma_semaphore, #tpu.memory_space<semaphore_mem>>
      %dma_start3A = arith.constant 0 : i32
      %dma_start3A_25 = tpu.memref_slice %arg5[%add3A_24, %dma_start3A] : memref<20480x128xf32, #tpu.memory_space<hbm>> -> memref<640x128xf32, #tpu.memory_space<hbm>>
      %dma_start3A_26 = arith.constant 0 : i32
      %dma_start3A_27 = tpu.memref_slice %arg10[%mul3A_8, %dma_start3A_26] : memref<10240x128xf32, #tpu.memory_space<vmem_shared>> -> memref<640x128xf32, #tpu.memory_space<vmem_shared>>
      tpu.enqueue_dma source(%dma_start3A_27 : memref<640x128xf32, #tpu.memory_space<vmem_shared>>) target(%dma_start3A_25 : memref<640x128xf32, #tpu.memory_space<hbm>>) target_semaphore(%run_scoped3A : memref<!tpu.dma_semaphore, #tpu.memory_space<semaphore_mem>>)
      %dma_wait3A = arith.constant 0 : i32
      %dma_wait3A_28 = tpu.memref_slice %arg5[%add3A_24, %dma_wait3A] : memref<20480x128xf32, #tpu.memory_space<hbm>> -> memref<640x128xf32, #tpu.memory_space<hbm>>
      %dma_wait3A_29 = arith.constant 0 : i32
      %dma_wait3A_30 = tpu.memref_slice %arg10[%mul3A_8, %dma_wait3A_29] : memref<10240x128xf32, #tpu.memory_space<vmem_shared>> -> memref<640x128xf32, #tpu.memory_space<vmem_shared>>
      tpu.wait_dma2 semaphore(%run_scoped3A : memref<!tpu.dma_semaphore, #tpu.memory_space<semaphore_mem>>) src(%dma_wait3A_30 : memref<640x128xf32, #tpu.memory_space<vmem_shared>>) dst(%dma_wait3A_28 : memref<640x128xf32, #tpu.memory_space<hbm>>)
      tpu.yield
    }) : () -> ()
    return
  }
}

#map = affine_map<(d0, d1) -> (0)>
#map1 = affine_map<(d0, d1) -> (0, 0)>
module attributes {stable_mosaic.version = 14 : i64} {
  func.func @sc_kernel(%arg0: i32, %arg1: i32, %arg2: memref<323584xi32, #tpu.memory_space<hbm>>, %arg3: memref<323584xi32, #tpu.memory_space<hbm>>, %arg4: memref<10000x128xf32, #tpu.memory_space<hbm>>, %arg5: memref<20480x128xf32, #tpu.memory_space<hbm>>, %arg6: memref<128xi32, #tpu.memory_space<vmem>>, %arg7: memref<128xi32, #tpu.memory_space<vmem>>, %arg8: memref<128x128xf32, #tpu.memory_space<vmem>>, %arg9: memref<64x128xf32, #tpu.memory_space<vmem>>, %arg10: memref<10240x128xf32, #tpu.memory_space<vmem_shared>>, %arg11: memref<!tpu.dma_semaphore, #tpu.memory_space<semaphore_mem>>) attributes {dimension_semantics = [#tpu.dimension_semantics<core_parallel>, #tpu.dimension_semantics<subcore_parallel>], iteration_bounds = array<i64: 2, 16>, scalar_prefetch = 0 : i64, scratch_operands = 6 : i64, tpu.core_type = #tpu.core_type<sc_vector_subcore>, window_params = [{transform_indices = #map}, {transform_indices = #map}, {transform_indices = #map1}, {transform_indices = #map1}]} {
    %mul3A = arith.constant 2 : i32
    %mul3A_0 = arith.muli %arg1, %mul3A : i32
    %add3A = arith.addi %mul3A_0, %arg0 : i32
    %broadcast_in_dim3A = arith.constant 0.000000e+00 : f32
    %broadcast_in_dim3A_1 = vector.broadcast %broadcast_in_dim3A : f32 to vector<16xf32>
    %scan3A = arith.constant 0 : i32
    %scan3A_2 = arith.constant 0 : i32
    %scan3A_3 = arith.constant 64 : i32
    %scan3A_4 = arith.addi %scan3A_2, %scan3A_3 : i32
    %scan3A_5 = arith.constant 1 : i32
    scf.for %scan3A_25 = %scan3A_2 to %scan3A_4 step %scan3A_5  : i32 {
      %swap3A = arith.index_cast %scan3A_25 : i32 to index
      %swap3A_26 = arith.constant 0 : index
      %swap3A_27 = tpu.vector_load %arg9[%swap3A, %swap3A_26] {strides = array<i32>} : memref<64x128xf32, #tpu.memory_space<vmem>>, vector<1x16xf32>,
      %swap3A_28 = vector.shape_cast %swap3A_27 : vector<1x16xf32> to vector<16xf32>
      %swap3A_29 = vector.shape_cast %broadcast_in_dim3A_1 : vector<16xf32> to vector<1x16xf32>
      tpu.vector_store %arg9[%swap3A, %swap3A_26], %swap3A_29 {strides = array<i32>} : memref<64x128xf32, #tpu.memory_space<vmem>>, vector<1x16xf32>,
      %swap3A_30 = arith.index_cast %scan3A_25 : i32 to index
      %swap3A_31 = arith.constant 16 : index
      %swap3A_32 = tpu.vector_load %arg9[%swap3A_30, %swap3A_31] {strides = array<i32>} : memref<64x128xf32, #tpu.memory_space<vmem>>, vector<1x16xf32>,
      %swap3A_33 = vector.shape_cast %swap3A_32 : vector<1x16xf32> to vector<16xf32>
      %swap3A_34 = vector.shape_cast %broadcast_in_dim3A_1 : vector<16xf32> to vector<1x16xf32>
      tpu.vector_store %arg9[%swap3A_30, %swap3A_31], %swap3A_34 {strides = array<i32>} : memref<64x128xf32, #tpu.memory_space<vmem>>, vector<1x16xf32>,
      %swap3A_35 = arith.index_cast %scan3A_25 : i32 to index
      %swap3A_36 = arith.constant 32 : index
      %swap3A_37 = tpu.vector_load %arg9[%swap3A_35, %swap3A_36] {strides = array<i32>} : memref<64x128xf32, #tpu.memory_space<vmem>>, vector<1x16xf32>,
      %swap3A_38 = vector.shape_cast %swap3A_37 : vector<1x16xf32> to vector<16xf32>
      %swap3A_39 = vector.shape_cast %broadcast_in_dim3A_1 : vector<16xf32> to vector<1x16xf32>
      tpu.vector_store %arg9[%swap3A_35, %swap3A_36], %swap3A_39 {strides = array<i32>} : memref<64x128xf32, #tpu.memory_space<vmem>>, vector<1x16xf32>,
      %swap3A_40 = arith.index_cast %scan3A_25 : i32 to index
      %swap3A_41 = arith.constant 48 : index
      %swap3A_42 = tpu.vector_load %arg9[%swap3A_40, %swap3A_41] {strides = array<i32>} : memref<64x128xf32, #tpu.memory_space<vmem>>, vector<1x16xf32>,
      %swap3A_43 = vector.shape_cast %swap3A_42 : vector<1x16xf32> to vector<16xf32>
      %swap3A_44 = vector.shape_cast %broadcast_in_dim3A_1 : vector<16xf32> to vector<1x16xf32>
      tpu.vector_store %arg9[%swap3A_40, %swap3A_41], %swap3A_44 {strides = array<i32>} : memref<64x128xf32, #tpu.memory_space<vmem>>, vector<1x16xf32>,
      %swap3A_45 = arith.index_cast %scan3A_25 : i32 to index
      %swap3A_46 = arith.constant 64 : index
      %swap3A_47 = tpu.vector_load %arg9[%swap3A_45, %swap3A_46] {strides = array<i32>} : memref<64x128xf32, #tpu.memory_space<vmem>>, vector<1x16xf32>,
      %swap3A_48 = vector.shape_cast %swap3A_47 : vector<1x16xf32> to vector<16xf32>
      %swap3A_49 = vector.shape_cast %broadcast_in_dim3A_1 : vector<16xf32> to vector<1x16xf32>
      tpu.vector_store %arg9[%swap3A_45, %swap3A_46], %swap3A_49 {strides = array<i32>} : memref<64x128xf32, #tpu.memory_space<vmem>>, vector<1x16xf32>,
      %swap3A_50 = arith.index_cast %scan3A_25 : i32 to index
      %swap3A_51 = arith.constant 80 : index
      %swap3A_52 = tpu.vector_load %arg9[%swap3A_50, %swap3A_51] {strides = array<i32>} : memref<64x128xf32, #tpu.memory_space<vmem>>, vector<1x16xf32>,
      %swap3A_53 = vector.shape_cast %swap3A_52 : vector<1x16xf32> to vector<16xf32>
      %swap3A_54 = vector.shape_cast %broadcast_in_dim3A_1 : vector<16xf32> to vector<1x16xf32>
      tpu.vector_store %arg9[%swap3A_50, %swap3A_51], %swap3A_54 {strides = array<i32>} : memref<64x128xf32, #tpu.memory_space<vmem>>, vector<1x16xf32>,
      %swap3A_55 = arith.index_cast %scan3A_25 : i32 to index
      %swap3A_56 = arith.constant 96 : index
      %swap3A_57 = tpu.vector_load %arg9[%swap3A_55, %swap3A_56] {strides = array<i32>} : memref<64x128xf32, #tpu.memory_space<vmem>>, vector<1x16xf32>,
      %swap3A_58 = vector.shape_cast %swap3A_57 : vector<1x16xf32> to vector<16xf32>
      %swap3A_59 = vector.shape_cast %broadcast_in_dim3A_1 : vector<16xf32> to vector<1x16xf32>
      tpu.vector_store %arg9[%swap3A_55, %swap3A_56], %swap3A_59 {strides = array<i32>} : memref<64x128xf32, #tpu.memory_space<vmem>>, vector<1x16xf32>,
      %swap3A_60 = arith.index_cast %scan3A_25 : i32 to index
      %swap3A_61 = arith.constant 112 : index
      %swap3A_62 = tpu.vector_load %arg9[%swap3A_60, %swap3A_61] {strides = array<i32>} : memref<64x128xf32, #tpu.memory_space<vmem>>, vector<1x16xf32>,
      %swap3A_63 = vector.shape_cast %swap3A_62 : vector<1x16xf32> to vector<16xf32>
      %swap3A_64 = vector.shape_cast %broadcast_in_dim3A_1 : vector<16xf32> to vector<1x16xf32>
      tpu.vector_store %arg9[%swap3A_60, %swap3A_61], %swap3A_64 {strides = array<i32>} : memref<64x128xf32, #tpu.memory_space<vmem>>, vector<1x16xf32>,
    }
    %scan3A_6 = arith.constant 64 : i32
    %mul3A_7 = arith.constant 640 : i32
    %mul3A_8 = arith.muli %arg1, %mul3A_7 : i32
    %scan3A_9 = arith.constant 0 : i32
    %scan3A_10 = arith.constant 0 : i32
    %scan3A_11 = arith.constant 10 : i32
    %scan3A_12 = arith.addi %scan3A_10, %scan3A_11 : i32
    %scan3A_13 = arith.constant 1 : i32
    scf.for %scan3A_25 = %scan3A_10 to %scan3A_12 step %scan3A_13  : i32 {
      %mul3A_26 = arith.constant 64 : i32
      %mul3A_27 = arith.muli %scan3A_25, %mul3A_26 : i32
      %add3A_28 = arith.addi %mul3A_8, %mul3A_27 : i32
      "tpu.region"() ({
        %run_scoped3A = tpu.sem_alloc : memref<!tpu.dma_semaphore, #tpu.memory_space<semaphore_mem>>
        %dma_start3A = arith.constant 0 : i32
        %dma_start3A_29 = tpu.memref_slice %arg10[%add3A_28, %dma_start3A] : memref<10240x128xf32, #tpu.memory_space<vmem_shared>> -> memref<64x128xf32, #tpu.memory_space<vmem_shared>>
        %dma_start3A_30 = arith.constant 0 : i32
        %dma_start3A_31 = tpu.memref_slice %arg10[%add3A_28, %dma_start3A_30] : memref<10240x128xf32, #tpu.memory_space<vmem_shared>> -> memref<64x128xf32, #tpu.memory_space<vmem_shared>>
        tpu.enqueue_dma source(%arg9 : memref<64x128xf32, #tpu.memory_space<vmem>>) target(%dma_start3A_31 : memref<64x128xf32, #tpu.memory_space<vmem_shared>>) target_semaphore(%run_scoped3A : memref<!tpu.dma_semaphore, #tpu.memory_space<semaphore_mem>>)
        %dma_wait3A = arith.constant 0 : i32
        %dma_wait3A_32 = tpu.memref_slice %arg10[%add3A_28, %dma_wait3A] : memref<10240x128xf32, #tpu.memory_space<vmem_shared>> -> memref<64x128xf32, #tpu.memory_space<vmem_shared>>
        %dma_wait3A_33 = arith.constant 0 : i32
        %dma_wait3A_34 = tpu.memref_slice %arg10[%add3A_28, %dma_wait3A_33] : memref<10240x128xf32, #tpu.memory_space<vmem_shared>> -> memref<64x128xf32, #tpu.memory_space<vmem_shared>>
        tpu.wait_dma2 semaphore(%run_scoped3A : memref<!tpu.dma_semaphore, #tpu.memory_space<semaphore_mem>>) src(%arg9 : memref<64x128xf32, #tpu.memory_space<vmem>>) dst(%dma_wait3A_34 : memref<64x128xf32, #tpu.memory_space<vmem_shared>>)
        tpu.yield
      }) : () -> ()
    }
    %scan3A_14 = arith.constant 10 : i32
    %barrier3A = arith.constant 0 : index
    tpu.barrier barrier_id(%barrier3A)
    %scan3A_15 = arith.constant 0 : i32
    %scan3A_16 = arith.constant 0 : i32
    %scan3A_17 = arith.constant 79 : i32
    %scan3A_18 = arith.addi %scan3A_16, %scan3A_17 : i32
    %scan3A_19 = arith.constant 1 : i32
    scf.for %scan3A_25 = %scan3A_16 to %scan3A_18 step %scan3A_19  : i32 {
      %mul3A_26 = arith.constant 79 : i32
      %mul3A_27 = arith.muli %add3A, %mul3A_26 : i32
      %add3A_28 = arith.addi %mul3A_27, %scan3A_25 : i32
      %mul3A_29 = arith.constant 128 : i32
      %mul3A_30 = arith.muli %add3A_28, %mul3A_29 : i32
      "tpu.region"() ({
        %run_scoped3A = tpu.sem_alloc : memref<!tpu.dma_semaphore, #tpu.memory_space<semaphore_mem>>
        %dma_start3A_35 = tpu.memref_slice %arg2[%mul3A_30] : memref<323584xi32, #tpu.memory_space<hbm>> -> memref<128xi32, #tpu.memory_space<hbm>>
        %dma_start3A_36 = tpu.memref_slice %arg2[%mul3A_30] : memref<323584xi32, #tpu.memory_space<hbm>> -> memref<128xi32, #tpu.memory_space<hbm>>
        tpu.enqueue_dma source(%dma_start3A_36 : memref<128xi32, #tpu.memory_space<hbm>>) target(%arg6 : memref<128xi32, #tpu.memory_space<vmem>>) target_semaphore(%run_scoped3A : memref<!tpu.dma_semaphore, #tpu.memory_space<semaphore_mem>>)
        %dma_wait3A_37 = tpu.memref_slice %arg2[%mul3A_30] : memref<323584xi32, #tpu.memory_space<hbm>> -> memref<128xi32, #tpu.memory_space<hbm>>
        %dma_wait3A_38 = tpu.memref_slice %arg2[%mul3A_30] : memref<323584xi32, #tpu.memory_space<hbm>> -> memref<128xi32, #tpu.memory_space<hbm>>
        tpu.wait_dma2 semaphore(%run_scoped3A : memref<!tpu.dma_semaphore, #tpu.memory_space<semaphore_mem>>) src(%dma_wait3A_38 : memref<128xi32, #tpu.memory_space<hbm>>) dst(%arg6 : memref<128xi32, #tpu.memory_space<vmem>>)
        tpu.yield
      }) : () -> ()
      "tpu.region"() ({
        %run_scoped3A = tpu.sem_alloc : memref<!tpu.dma_semaphore, #tpu.memory_space<semaphore_mem>>
        %dma_start3A_35 = tpu.memref_slice %arg3[%mul3A_30] : memref<323584xi32, #tpu.memory_space<hbm>> -> memref<128xi32, #tpu.memory_space<hbm>>
        %dma_start3A_36 = tpu.memref_slice %arg3[%mul3A_30] : memref<323584xi32, #tpu.memory_space<hbm>> -> memref<128xi32, #tpu.memory_space<hbm>>
        tpu.enqueue_dma source(%dma_start3A_36 : memref<128xi32, #tpu.memory_space<hbm>>) target(%arg7 : memref<128xi32, #tpu.memory_space<vmem>>) target_semaphore(%run_scoped3A : memref<!tpu.dma_semaphore, #tpu.memory_space<semaphore_mem>>)
        %dma_wait3A_37 = tpu.memref_slice %arg3[%mul3A_30] : memref<323584xi32, #tpu.memory_space<hbm>> -> memref<128xi32, #tpu.memory_space<hbm>>
        %dma_wait3A_38 = tpu.memref_slice %arg3[%mul3A_30] : memref<323584xi32, #tpu.memory_space<hbm>> -> memref<128xi32, #tpu.memory_space<hbm>>
        tpu.wait_dma2 semaphore(%run_scoped3A : memref<!tpu.dma_semaphore, #tpu.memory_space<semaphore_mem>>) src(%dma_wait3A_38 : memref<128xi32, #tpu.memory_space<hbm>>) dst(%arg7 : memref<128xi32, #tpu.memory_space<vmem>>)
        tpu.yield
      }) : () -> ()
      %dma_start3A = arith.constant 0 : i32
      %dma_start3A_31 = arith.constant 0 : i32
      %dma_start3A_32 = tpu.memref_slice %arg4[%dma_start3A, %dma_start3A_31] : memref<10000x128xf32, #tpu.memory_space<hbm>> -> memref<10000x128xf32, #tpu.memory_space<hbm>>
      tpu.enqueue_indirect_dma source(%dma_start3A_32 : memref<10000x128xf32, #tpu.memory_space<hbm>>) target(%arg8 : memref<128x128xf32, #tpu.memory_space<vmem>>) offsets(%arg6 : memref<128xi32, #tpu.memory_space<vmem>>) semaphore(%arg11 : memref<!tpu.dma_semaphore, #tpu.memory_space<semaphore_mem>>)
      %dma_wait3A = arith.constant 0 : i32
      %dma_wait3A_33 = arith.constant 0 : i32
      %dma_wait3A_34 = tpu.memref_slice %arg4[%dma_wait3A, %dma_wait3A_33] : memref<10000x128xf32, #tpu.memory_space<hbm>> -> memref<10000x128xf32, #tpu.memory_space<hbm>>
      tpu.wait_indirect_dma semaphore(%arg11 : memref<!tpu.dma_semaphore, #tpu.memory_space<semaphore_mem>>) src(%dma_wait3A_34 : memref<10000x128xf32, #tpu.memory_space<hbm>>) dst(%arg8 : memref<128x128xf32, #tpu.memory_space<vmem>>)
      "tpu.region"() ({
        %run_scoped3A = tpu.sem_alloc : memref<!tpu.dma_semaphore, #tpu.memory_space<semaphore_mem>>
        %dma_start3A_35 = arith.constant 0 : i32
        %dma_start3A_36 = arith.constant 0 : i32
        %dma_start3A_37 = tpu.memref_slice %arg10[%dma_start3A_35, %dma_start3A_36] : memref<10240x128xf32, #tpu.memory_space<vmem_shared>> -> memref<10240x128xf32, #tpu.memory_space<vmem_shared>>
        tpu.enqueue_indirect_dma source(%arg8 : memref<128x128xf32, #tpu.memory_space<vmem>>) target(%dma_start3A_37 : memref<10240x128xf32, #tpu.memory_space<vmem_shared>>) offsets(%arg7 : memref<128xi32, #tpu.memory_space<vmem>>) semaphore(%run_scoped3A : memref<!tpu.dma_semaphore, #tpu.memory_space<semaphore_mem>>) {add = true}
        %dma_wait3A_38 = arith.constant 0 : i32
        %dma_wait3A_39 = arith.constant 0 : i32
        %dma_wait3A_40 = tpu.memref_slice %arg10[%dma_wait3A_38, %dma_wait3A_39] : memref<10240x128xf32, #tpu.memory_space<vmem_shared>> -> memref<10240x128xf32, #tpu.memory_space<vmem_shared>>
        tpu.wait_indirect_dma semaphore(%run_scoped3A : memref<!tpu.dma_semaphore, #tpu.memory_space<semaphore_mem>>) src(%arg8 : memref<128x128xf32, #tpu.memory_space<vmem>>) dst(%dma_wait3A_40 : memref<10240x128xf32, #tpu.memory_space<vmem_shared>>)
        tpu.yield
      }) : () -> ()
    }
    %scan3A_20 = arith.constant 79 : i32
    %barrier3A_21 = arith.constant 0 : index
    tpu.barrier barrier_id(%barrier3A_21)
    %mul3A_22 = arith.constant 10240 : i32
    %mul3A_23 = arith.muli %arg0, %mul3A_22 : i32
    %add3A_24 = arith.addi %mul3A_23, %mul3A_8 : i32
    "tpu.region"() ({
      %run_scoped3A = tpu.sem_alloc : memref<!tpu.dma_semaphore, #tpu.memory_space<semaphore_mem>>
      %dma_start3A = arith.constant 0 : i32
      %dma_start3A_25 = tpu.memref_slice %arg5[%add3A_24, %dma_start3A] : memref<20480x128xf32, #tpu.memory_space<hbm>> -> memref<640x128xf32, #tpu.memory_space<hbm>>
      %dma_start3A_26 = arith.constant 0 : i32
      %dma_start3A_27 = tpu.memref_slice %arg10[%mul3A_8, %dma_start3A_26] : memref<10240x128xf32, #tpu.memory_space<vmem_shared>> -> memref<640x128xf32, #tpu.memory_space<vmem_shared>>
      tpu.enqueue_dma source(%dma_start3A_27 : memref<640x128xf32, #tpu.memory_space<vmem_shared>>) target(%dma_start3A_25 : memref<640x128xf32, #tpu.memory_space<hbm>>) target_semaphore(%run_scoped3A : memref<!tpu.dma_semaphore, #tpu.memory_space<semaphore_mem>>)
      %dma_wait3A = arith.constant 0 : i32
      %dma_wait3A_28 = tpu.memref_slice %arg5[%add3A_24, %dma_wait3A] : memref<20480x128xf32, #tpu.memory_space<hbm>> -> memref<640x128xf32, #tpu.memory_space<hbm>>
      %dma_wait3A_29 = arith.constant 0 : i32
      %dma_wait3A_30 = tpu.memref_slice %arg10[%mul3A_8, %dma_wait3A_29] : memref<10240x128xf32, #tpu.memory_space<vmem_shared>> -> memref<640x128xf32, #tpu.memory_space<vmem_shared>>
      tpu.wait_dma2 semaphore(%run_scoped3A : memref<!tpu.dma_semaphore, #tpu.memory_space<semaphore_mem>>) src(%dma_wait3A_30 : memref<640x128xf32, #tpu.memory_space<vmem_shared>>) dst(%dma_wait3A_28 : memref<640x128xf32, #tpu.memory_space<hbm>>)
      tpu.yield
    }) : () -> ()
    return
  }
}

#map = affine_map<(d0, d1) -> (0)>
#map1 = affine_map<(d0, d1) -> (0, 0)>
module attributes {stable_mosaic.version = 14 : i64} {
  func.func @sc_kernel(%arg0: i32, %arg1: i32, %arg2: memref<323584xi32, #tpu.memory_space<hbm>>, %arg3: memref<20480x128xf32, #tpu.memory_space<hbm>>, %arg4: memref<128xi32, #tpu.memory_space<vmem>>, %arg5: memref<128x128xf32, #tpu.memory_space<vmem>>, %arg6: memref<64x128xf32, #tpu.memory_space<vmem>>, %arg7: memref<10240x128xf32, #tpu.memory_space<vmem_shared>>) attributes {dimension_semantics = [#tpu.dimension_semantics<core_parallel>, #tpu.dimension_semantics<subcore_parallel>], iteration_bounds = array<i64: 2, 16>, scalar_prefetch = 0 : i64, scratch_operands = 4 : i64, tpu.core_type = #tpu.core_type<sc_vector_subcore>, window_params = [{transform_indices = #map}, {transform_indices = #map1}]} {
    %mul3A = arith.constant 2 : i32
    %mul3A_0 = arith.muli %arg1, %mul3A : i32
    %add3A = arith.addi %mul3A_0, %arg0 : i32
    %broadcast_in_dim3A = arith.constant 0.000000e+00 : f32
    %broadcast_in_dim3A_1 = vector.broadcast %broadcast_in_dim3A : f32 to vector<16xf32>
    %scan3A = arith.constant 0 : i32
    %scan3A_2 = arith.constant 0 : i32
    %scan3A_3 = arith.constant 64 : i32
    %scan3A_4 = arith.addi %scan3A_2, %scan3A_3 : i32
    %scan3A_5 = arith.constant 1 : i32
    scf.for %scan3A_33 = %scan3A_2 to %scan3A_4 step %scan3A_5  : i32 {
      %swap3A = arith.index_cast %scan3A_33 : i32 to index
      %swap3A_34 = arith.constant 0 : index
      %swap3A_35 = tpu.vector_load %arg6[%swap3A, %swap3A_34] {strides = array<i32>} : memref<64x128xf32, #tpu.memory_space<vmem>>, vector<1x16xf32>,
      %swap3A_36 = vector.shape_cast %swap3A_35 : vector<1x16xf32> to vector<16xf32>
      %swap3A_37 = vector.shape_cast %broadcast_in_dim3A_1 : vector<16xf32> to vector<1x16xf32>
      tpu.vector_store %arg6[%swap3A, %swap3A_34], %swap3A_37 {strides = array<i32>} : memref<64x128xf32, #tpu.memory_space<vmem>>, vector<1x16xf32>,
      %swap3A_38 = arith.index_cast %scan3A_33 : i32 to index
      %swap3A_39 = arith.constant 16 : index
      %swap3A_40 = tpu.vector_load %arg6[%swap3A_38, %swap3A_39] {strides = array<i32>} : memref<64x128xf32, #tpu.memory_space<vmem>>, vector<1x16xf32>,
      %swap3A_41 = vector.shape_cast %swap3A_40 : vector<1x16xf32> to vector<16xf32>
      %swap3A_42 = vector.shape_cast %broadcast_in_dim3A_1 : vector<16xf32> to vector<1x16xf32>
      tpu.vector_store %arg6[%swap3A_38, %swap3A_39], %swap3A_42 {strides = array<i32>} : memref<64x128xf32, #tpu.memory_space<vmem>>, vector<1x16xf32>,
      %swap3A_43 = arith.index_cast %scan3A_33 : i32 to index
      %swap3A_44 = arith.constant 32 : index
      %swap3A_45 = tpu.vector_load %arg6[%swap3A_43, %swap3A_44] {strides = array<i32>} : memref<64x128xf32, #tpu.memory_space<vmem>>, vector<1x16xf32>,
      %swap3A_46 = vector.shape_cast %swap3A_45 : vector<1x16xf32> to vector<16xf32>
      %swap3A_47 = vector.shape_cast %broadcast_in_dim3A_1 : vector<16xf32> to vector<1x16xf32>
      tpu.vector_store %arg6[%swap3A_43, %swap3A_44], %swap3A_47 {strides = array<i32>} : memref<64x128xf32, #tpu.memory_space<vmem>>, vector<1x16xf32>,
      %swap3A_48 = arith.index_cast %scan3A_33 : i32 to index
      %swap3A_49 = arith.constant 48 : index
      %swap3A_50 = tpu.vector_load %arg6[%swap3A_48, %swap3A_49] {strides = array<i32>} : memref<64x128xf32, #tpu.memory_space<vmem>>, vector<1x16xf32>,
      %swap3A_51 = vector.shape_cast %swap3A_50 : vector<1x16xf32> to vector<16xf32>
      %swap3A_52 = vector.shape_cast %broadcast_in_dim3A_1 : vector<16xf32> to vector<1x16xf32>
      tpu.vector_store %arg6[%swap3A_48, %swap3A_49], %swap3A_52 {strides = array<i32>} : memref<64x128xf32, #tpu.memory_space<vmem>>, vector<1x16xf32>,
      %swap3A_53 = arith.index_cast %scan3A_33 : i32 to index
      %swap3A_54 = arith.constant 64 : index
      %swap3A_55 = tpu.vector_load %arg6[%swap3A_53, %swap3A_54] {strides = array<i32>} : memref<64x128xf32, #tpu.memory_space<vmem>>, vector<1x16xf32>,
      %swap3A_56 = vector.shape_cast %swap3A_55 : vector<1x16xf32> to vector<16xf32>
      %swap3A_57 = vector.shape_cast %broadcast_in_dim3A_1 : vector<16xf32> to vector<1x16xf32>
      tpu.vector_store %arg6[%swap3A_53, %swap3A_54], %swap3A_57 {strides = array<i32>} : memref<64x128xf32, #tpu.memory_space<vmem>>, vector<1x16xf32>,
      %swap3A_58 = arith.index_cast %scan3A_33 : i32 to index
      %swap3A_59 = arith.constant 80 : index
      %swap3A_60 = tpu.vector_load %arg6[%swap3A_58, %swap3A_59] {strides = array<i32>} : memref<64x128xf32, #tpu.memory_space<vmem>>, vector<1x16xf32>,
      %swap3A_61 = vector.shape_cast %swap3A_60 : vector<1x16xf32> to vector<16xf32>
      %swap3A_62 = vector.shape_cast %broadcast_in_dim3A_1 : vector<16xf32> to vector<1x16xf32>
      tpu.vector_store %arg6[%swap3A_58, %swap3A_59], %swap3A_62 {strides = array<i32>} : memref<64x128xf32, #tpu.memory_space<vmem>>, vector<1x16xf32>,
      %swap3A_63 = arith.index_cast %scan3A_33 : i32 to index
      %swap3A_64 = arith.constant 96 : index
      %swap3A_65 = tpu.vector_load %arg6[%swap3A_63, %swap3A_64] {strides = array<i32>} : memref<64x128xf32, #tpu.memory_space<vmem>>, vector<1x16xf32>,
      %swap3A_66 = vector.shape_cast %swap3A_65 : vector<1x16xf32> to vector<16xf32>
      %swap3A_67 = vector.shape_cast %broadcast_in_dim3A_1 : vector<16xf32> to vector<1x16xf32>
      tpu.vector_store %arg6[%swap3A_63, %swap3A_64], %swap3A_67 {strides = array<i32>} : memref<64x128xf32, #tpu.memory_space<vmem>>, vector<1x16xf32>,
      %swap3A_68 = arith.index_cast %scan3A_33 : i32 to index
      %swap3A_69 = arith.constant 112 : index
      %swap3A_70 = tpu.vector_load %arg6[%swap3A_68, %swap3A_69] {strides = array<i32>} : memref<64x128xf32, #tpu.memory_space<vmem>>, vector<1x16xf32>,
      %swap3A_71 = vector.shape_cast %swap3A_70 : vector<1x16xf32> to vector<16xf32>
      %swap3A_72 = vector.shape_cast %broadcast_in_dim3A_1 : vector<16xf32> to vector<1x16xf32>
      tpu.vector_store %arg6[%swap3A_68, %swap3A_69], %swap3A_72 {strides = array<i32>} : memref<64x128xf32, #tpu.memory_space<vmem>>, vector<1x16xf32>,
    }
    %scan3A_6 = arith.constant 64 : i32
    %broadcast_in_dim3A_7 = arith.constant 1.000000e+00 : f32
    %broadcast_in_dim3A_8 = vector.broadcast %broadcast_in_dim3A_7 : f32 to vector<16xf32>
    %scan3A_9 = arith.constant 0 : i32
    %scan3A_10 = arith.constant 0 : i32
    %scan3A_11 = arith.constant 128 : i32
    %scan3A_12 = arith.addi %scan3A_10, %scan3A_11 : i32
    %scan3A_13 = arith.constant 1 : i32
    scf.for %scan3A_33 = %scan3A_10 to %scan3A_12 step %scan3A_13  : i32 {
      %swap3A = arith.index_cast %scan3A_33 : i32 to index
      %swap3A_34 = arith.constant 0 : index
      %swap3A_35 = tpu.vector_load %arg5[%swap3A, %swap3A_34] {strides = array<i32>} : memref<128x128xf32, #tpu.memory_space<vmem>>, vector<1x16xf32>,
      %swap3A_36 = vector.shape_cast %swap3A_35 : vector<1x16xf32> to vector<16xf32>
      %swap3A_37 = vector.shape_cast %broadcast_in_dim3A_8 : vector<16xf32> to vector<1x16xf32>
      tpu.vector_store %arg5[%swap3A, %swap3A_34], %swap3A_37 {strides = array<i32>} : memref<128x128xf32, #tpu.memory_space<vmem>>, vector<1x16xf32>,
      %swap3A_38 = arith.index_cast %scan3A_33 : i32 to index
      %swap3A_39 = arith.constant 16 : index
      %swap3A_40 = tpu.vector_load %arg5[%swap3A_38, %swap3A_39] {strides = array<i32>} : memref<128x128xf32, #tpu.memory_space<vmem>>, vector<1x16xf32>,
      %swap3A_41 = vector.shape_cast %swap3A_40 : vector<1x16xf32> to vector<16xf32>
      %swap3A_42 = vector.shape_cast %broadcast_in_dim3A_8 : vector<16xf32> to vector<1x16xf32>
      tpu.vector_store %arg5[%swap3A_38, %swap3A_39], %swap3A_42 {strides = array<i32>} : memref<128x128xf32, #tpu.memory_space<vmem>>, vector<1x16xf32>,
      %swap3A_43 = arith.index_cast %scan3A_33 : i32 to index
      %swap3A_44 = arith.constant 32 : index
      %swap3A_45 = tpu.vector_load %arg5[%swap3A_43, %swap3A_44] {strides = array<i32>} : memref<128x128xf32, #tpu.memory_space<vmem>>, vector<1x16xf32>,
      %swap3A_46 = vector.shape_cast %swap3A_45 : vector<1x16xf32> to vector<16xf32>
      %swap3A_47 = vector.shape_cast %broadcast_in_dim3A_8 : vector<16xf32> to vector<1x16xf32>
      tpu.vector_store %arg5[%swap3A_43, %swap3A_44], %swap3A_47 {strides = array<i32>} : memref<128x128xf32, #tpu.memory_space<vmem>>, vector<1x16xf32>,
      %swap3A_48 = arith.index_cast %scan3A_33 : i32 to index
      %swap3A_49 = arith.constant 48 : index
      %swap3A_50 = tpu.vector_load %arg5[%swap3A_48, %swap3A_49] {strides = array<i32>} : memref<128x128xf32, #tpu.memory_space<vmem>>, vector<1x16xf32>,
      %swap3A_51 = vector.shape_cast %swap3A_50 : vector<1x16xf32> to vector<16xf32>
      %swap3A_52 = vector.shape_cast %broadcast_in_dim3A_8 : vector<16xf32> to vector<1x16xf32>
      tpu.vector_store %arg5[%swap3A_48, %swap3A_49], %swap3A_52 {strides = array<i32>} : memref<128x128xf32, #tpu.memory_space<vmem>>, vector<1x16xf32>,
      %swap3A_53 = arith.index_cast %scan3A_33 : i32 to index
      %swap3A_54 = arith.constant 64 : index
      %swap3A_55 = tpu.vector_load %arg5[%swap3A_53, %swap3A_54] {strides = array<i32>} : memref<128x128xf32, #tpu.memory_space<vmem>>, vector<1x16xf32>,
      %swap3A_56 = vector.shape_cast %swap3A_55 : vector<1x16xf32> to vector<16xf32>
      %swap3A_57 = vector.shape_cast %broadcast_in_dim3A_8 : vector<16xf32> to vector<1x16xf32>
      tpu.vector_store %arg5[%swap3A_53, %swap3A_54], %swap3A_57 {strides = array<i32>} : memref<128x128xf32, #tpu.memory_space<vmem>>, vector<1x16xf32>,
      %swap3A_58 = arith.index_cast %scan3A_33 : i32 to index
      %swap3A_59 = arith.constant 80 : index
      %swap3A_60 = tpu.vector_load %arg5[%swap3A_58, %swap3A_59] {strides = array<i32>} : memref<128x128xf32, #tpu.memory_space<vmem>>, vector<1x16xf32>,
      %swap3A_61 = vector.shape_cast %swap3A_60 : vector<1x16xf32> to vector<16xf32>
      %swap3A_62 = vector.shape_cast %broadcast_in_dim3A_8 : vector<16xf32> to vector<1x16xf32>
      tpu.vector_store %arg5[%swap3A_58, %swap3A_59], %swap3A_62 {strides = array<i32>} : memref<128x128xf32, #tpu.memory_space<vmem>>, vector<1x16xf32>,
      %swap3A_63 = arith.index_cast %scan3A_33 : i32 to index
      %swap3A_64 = arith.constant 96 : index
      %swap3A_65 = tpu.vector_load %arg5[%swap3A_63, %swap3A_64] {strides = array<i32>} : memref<128x128xf32, #tpu.memory_space<vmem>>, vector<1x16xf32>,
      %swap3A_66 = vector.shape_cast %swap3A_65 : vector<1x16xf32> to vector<16xf32>
      %swap3A_67 = vector.shape_cast %broadcast_in_dim3A_8 : vector<16xf32> to vector<1x16xf32>
      tpu.vector_store %arg5[%swap3A_63, %swap3A_64], %swap3A_67 {strides = array<i32>} : memref<128x128xf32, #tpu.memory_space<vmem>>, vector<1x16xf32>,
      %swap3A_68 = arith.index_cast %scan3A_33 : i32 to index
      %swap3A_69 = arith.constant 112 : index
      %swap3A_70 = tpu.vector_load %arg5[%swap3A_68, %swap3A_69] {strides = array<i32>} : memref<128x128xf32, #tpu.memory_space<vmem>>, vector<1x16xf32>,
      %swap3A_71 = vector.shape_cast %swap3A_70 : vector<1x16xf32> to vector<16xf32>
      %swap3A_72 = vector.shape_cast %broadcast_in_dim3A_8 : vector<16xf32> to vector<1x16xf32>
      tpu.vector_store %arg5[%swap3A_68, %swap3A_69], %swap3A_72 {strides = array<i32>} : memref<128x128xf32, #tpu.memory_space<vmem>>, vector<1x16xf32>,
    }
    %scan3A_14 = arith.constant 128 : i32
    %mul3A_15 = arith.constant 640 : i32
    %mul3A_16 = arith.muli %arg1, %mul3A_15 : i32
    %scan3A_17 = arith.constant 0 : i32
    %scan3A_18 = arith.constant 0 : i32
    %scan3A_19 = arith.constant 10 : i32
    %scan3A_20 = arith.addi %scan3A_18, %scan3A_19 : i32
    %scan3A_21 = arith.constant 1 : i32
    scf.for %scan3A_33 = %scan3A_18 to %scan3A_20 step %scan3A_21  : i32 {
      %mul3A_34 = arith.constant 64 : i32
      %mul3A_35 = arith.muli %scan3A_33, %mul3A_34 : i32
      %add3A_36 = arith.addi %mul3A_16, %mul3A_35 : i32
      "tpu.region"() ({
        %run_scoped3A = tpu.sem_alloc : memref<!tpu.dma_semaphore, #tpu.memory_space<semaphore_mem>>
        %dma_start3A = arith.constant 0 : i32
        %dma_start3A_37 = tpu.memref_slice %arg7[%add3A_36, %dma_start3A] : memref<10240x128xf32, #tpu.memory_space<vmem_shared>> -> memref<64x128xf32, #tpu.memory_space<vmem_shared>>
        %dma_start3A_38 = arith.constant 0 : i32
        %dma_start3A_39 = tpu.memref_slice %arg7[%add3A_36, %dma_start3A_38] : memref<10240x128xf32, #tpu.memory_space<vmem_shared>> -> memref<64x128xf32, #tpu.memory_space<vmem_shared>>
        tpu.enqueue_dma source(%arg6 : memref<64x128xf32, #tpu.memory_space<vmem>>) target(%dma_start3A_39 : memref<64x128xf32, #tpu.memory_space<vmem_shared>>) target_semaphore(%run_scoped3A : memref<!tpu.dma_semaphore, #tpu.memory_space<semaphore_mem>>)
        %dma_wait3A = arith.constant 0 : i32
        %dma_wait3A_40 = tpu.memref_slice %arg7[%add3A_36, %dma_wait3A] : memref<10240x128xf32, #tpu.memory_space<vmem_shared>> -> memref<64x128xf32, #tpu.memory_space<vmem_shared>>
        %dma_wait3A_41 = arith.constant 0 : i32
        %dma_wait3A_42 = tpu.memref_slice %arg7[%add3A_36, %dma_wait3A_41] : memref<10240x128xf32, #tpu.memory_space<vmem_shared>> -> memref<64x128xf32, #tpu.memory_space<vmem_shared>>
        tpu.wait_dma2 semaphore(%run_scoped3A : memref<!tpu.dma_semaphore, #tpu.memory_space<semaphore_mem>>) src(%arg6 : memref<64x128xf32, #tpu.memory_space<vmem>>) dst(%dma_wait3A_42 : memref<64x128xf32, #tpu.memory_space<vmem_shared>>)
        tpu.yield
      }) : () -> ()
    }
    %scan3A_22 = arith.constant 10 : i32
    %barrier3A = arith.constant 0 : index
    tpu.barrier barrier_id(%barrier3A)
    %scan3A_23 = arith.constant 0 : i32
    %scan3A_24 = arith.constant 0 : i32
    %scan3A_25 = arith.constant 79 : i32
    %scan3A_26 = arith.addi %scan3A_24, %scan3A_25 : i32
    %scan3A_27 = arith.constant 1 : i32
    scf.for %scan3A_33 = %scan3A_24 to %scan3A_26 step %scan3A_27  : i32 {
      %mul3A_34 = arith.constant 79 : i32
      %mul3A_35 = arith.muli %add3A, %mul3A_34 : i32
      %add3A_36 = arith.addi %mul3A_35, %scan3A_33 : i32
      %mul3A_37 = arith.constant 128 : i32
      %mul3A_38 = arith.muli %add3A_36, %mul3A_37 : i32
      "tpu.region"() ({
        %run_scoped3A = tpu.sem_alloc : memref<!tpu.dma_semaphore, #tpu.memory_space<semaphore_mem>>
        %dma_start3A = tpu.memref_slice %arg2[%mul3A_38] : memref<323584xi32, #tpu.memory_space<hbm>> -> memref<128xi32, #tpu.memory_space<hbm>>
        %dma_start3A_39 = tpu.memref_slice %arg2[%mul3A_38] : memref<323584xi32, #tpu.memory_space<hbm>> -> memref<128xi32, #tpu.memory_space<hbm>>
        tpu.enqueue_dma source(%dma_start3A_39 : memref<128xi32, #tpu.memory_space<hbm>>) target(%arg4 : memref<128xi32, #tpu.memory_space<vmem>>) target_semaphore(%run_scoped3A : memref<!tpu.dma_semaphore, #tpu.memory_space<semaphore_mem>>)
        %dma_wait3A = tpu.memref_slice %arg2[%mul3A_38] : memref<323584xi32, #tpu.memory_space<hbm>> -> memref<128xi32, #tpu.memory_space<hbm>>
        %dma_wait3A_40 = tpu.memref_slice %arg2[%mul3A_38] : memref<323584xi32, #tpu.memory_space<hbm>> -> memref<128xi32, #tpu.memory_space<hbm>>
        tpu.wait_dma2 semaphore(%run_scoped3A : memref<!tpu.dma_semaphore, #tpu.memory_space<semaphore_mem>>) src(%dma_wait3A_40 : memref<128xi32, #tpu.memory_space<hbm>>) dst(%arg4 : memref<128xi32, #tpu.memory_space<vmem>>)
        tpu.yield
      }) : () -> ()
      "tpu.region"() ({
        %run_scoped3A = tpu.sem_alloc : memref<!tpu.dma_semaphore, #tpu.memory_space<semaphore_mem>>
        %dma_start3A = arith.constant 0 : i32
        %dma_start3A_39 = arith.constant 0 : i32
        %dma_start3A_40 = tpu.memref_slice %arg7[%dma_start3A, %dma_start3A_39] : memref<10240x128xf32, #tpu.memory_space<vmem_shared>> -> memref<10240x128xf32, #tpu.memory_space<vmem_shared>>
        tpu.enqueue_indirect_dma source(%arg5 : memref<128x128xf32, #tpu.memory_space<vmem>>) target(%dma_start3A_40 : memref<10240x128xf32, #tpu.memory_space<vmem_shared>>) offsets(%arg4 : memref<128xi32, #tpu.memory_space<vmem>>) semaphore(%run_scoped3A : memref<!tpu.dma_semaphore, #tpu.memory_space<semaphore_mem>>) {add = true}
        %dma_wait3A = arith.constant 0 : i32
        %dma_wait3A_41 = arith.constant 0 : i32
        %dma_wait3A_42 = tpu.memref_slice %arg7[%dma_wait3A, %dma_wait3A_41] : memref<10240x128xf32, #tpu.memory_space<vmem_shared>> -> memref<10240x128xf32, #tpu.memory_space<vmem_shared>>
        tpu.wait_indirect_dma semaphore(%run_scoped3A : memref<!tpu.dma_semaphore, #tpu.memory_space<semaphore_mem>>) src(%arg5 : memref<128x128xf32, #tpu.memory_space<vmem>>) dst(%dma_wait3A_42 : memref<10240x128xf32, #tpu.memory_space<vmem_shared>>)
        tpu.yield
      }) : () -> ()
    }
    %scan3A_28 = arith.constant 79 : i32
    %barrier3A_29 = arith.constant 0 : index
    tpu.barrier barrier_id(%barrier3A_29)
    %mul3A_30 = arith.constant 10240 : i32
    %mul3A_31 = arith.muli %arg0, %mul3A_30 : i32
    %add3A_32 = arith.addi %mul3A_31, %mul3A_16 : i32
    "tpu.region"() ({
      %run_scoped3A = tpu.sem_alloc : memref<!tpu.dma_semaphore, #tpu.memory_space<semaphore_mem>>
      %dma_start3A = arith.constant 0 : i32
      %dma_start3A_33 = tpu.memref_slice %arg3[%add3A_32, %dma_start3A] : memref<20480x128xf32, #tpu.memory_space<hbm>> -> memref<640x128xf32, #tpu.memory_space<hbm>>
      %dma_start3A_34 = arith.constant 0 : i32
      %dma_start3A_35 = tpu.memref_slice %arg7[%mul3A_16, %dma_start3A_34] : memref<10240x128xf32, #tpu.memory_space<vmem_shared>> -> memref<640x128xf32, #tpu.memory_space<vmem_shared>>
      tpu.enqueue_dma source(%dma_start3A_35 : memref<640x128xf32, #tpu.memory_space<vmem_shared>>) target(%dma_start3A_33 : memref<640x128xf32, #tpu.memory_space<hbm>>) target_semaphore(%run_scoped3A : memref<!tpu.dma_semaphore, #tpu.memory_space<semaphore_mem>>)
      %dma_wait3A = arith.constant 0 : i32
      %dma_wait3A_36 = tpu.memref_slice %arg3[%add3A_32, %dma_wait3A] : memref<20480x128xf32, #tpu.memory_space<hbm>> -> memref<640x128xf32, #tpu.memory_space<hbm>>
      %dma_wait3A_37 = arith.constant 0 : i32
      %dma_wait3A_38 = tpu.memref_slice %arg7[%mul3A_16, %dma_wait3A_37] : memref<10240x128xf32, #tpu.memory_space<vmem_shared>> -> memref<640x128xf32, #tpu.memory_space<vmem_shared>>
      tpu.wait_dma2 semaphore(%run_scoped3A : memref<!tpu.dma_semaphore, #tpu.memory_space<semaphore_mem>>) src(%dma_wait3A_38 : memref<640x128xf32, #tpu.memory_space<vmem_shared>>) dst(%dma_wait3A_36 : memref<640x128xf32, #tpu.memory_space<hbm>>)
      tpu.yield
    }) : () -> ()
    return
  }
}

#map = affine_map<(d0, d1) -> (0)>
#map1 = affine_map<(d0, d1) -> (0, 0)>
module attributes {stable_mosaic.version = 14 : i64} {
  func.func @sc_kernel(%arg0: i32, %arg1: i32, %arg2: memref<323584xi32, #tpu.memory_space<hbm>>, %arg3: memref<323584xi32, #tpu.memory_space<hbm>>, %arg4: memref<10000x128xf32, #tpu.memory_space<hbm>>, %arg5: memref<20480x128xf32, #tpu.memory_space<hbm>>, %arg6: memref<128xi32, #tpu.memory_space<vmem>>, %arg7: memref<128xi32, #tpu.memory_space<vmem>>, %arg8: memref<128x128xf32, #tpu.memory_space<vmem>>, %arg9: memref<64x128xf32, #tpu.memory_space<vmem>>, %arg10: memref<10240x128xf32, #tpu.memory_space<vmem_shared>>, %arg11: memref<!tpu.dma_semaphore, #tpu.memory_space<semaphore_mem>>) attributes {dimension_semantics = [#tpu.dimension_semantics<core_parallel>, #tpu.dimension_semantics<subcore_parallel>], iteration_bounds = array<i64: 2, 16>, scalar_prefetch = 0 : i64, scratch_operands = 6 : i64, tpu.core_type = #tpu.core_type<sc_vector_subcore>, window_params = [{transform_indices = #map}, {transform_indices = #map}, {transform_indices = #map1}, {transform_indices = #map1}]} {
    %mul3A = arith.constant 2 : i32
    %mul3A_0 = arith.muli %arg1, %mul3A : i32
    %add3A = arith.addi %mul3A_0, %arg0 : i32
    %broadcast_in_dim3A = arith.constant 0.000000e+00 : f32
    %broadcast_in_dim3A_1 = vector.broadcast %broadcast_in_dim3A : f32 to vector<16xf32>
    %scan3A = arith.constant 0 : i32
    %scan3A_2 = arith.constant 0 : i32
    %scan3A_3 = arith.constant 64 : i32
    %scan3A_4 = arith.addi %scan3A_2, %scan3A_3 : i32
    %scan3A_5 = arith.constant 1 : i32
    scf.for %scan3A_25 = %scan3A_2 to %scan3A_4 step %scan3A_5  : i32 {
      %swap3A = arith.index_cast %scan3A_25 : i32 to index
      %swap3A_26 = arith.constant 0 : index
      %swap3A_27 = tpu.vector_load %arg9[%swap3A, %swap3A_26] {strides = array<i32>} : memref<64x128xf32, #tpu.memory_space<vmem>>, vector<1x16xf32>,
      %swap3A_28 = vector.shape_cast %swap3A_27 : vector<1x16xf32> to vector<16xf32>
      %swap3A_29 = vector.shape_cast %broadcast_in_dim3A_1 : vector<16xf32> to vector<1x16xf32>
      tpu.vector_store %arg9[%swap3A, %swap3A_26], %swap3A_29 {strides = array<i32>} : memref<64x128xf32, #tpu.memory_space<vmem>>, vector<1x16xf32>,
      %swap3A_30 = arith.index_cast %scan3A_25 : i32 to index
      %swap3A_31 = arith.constant 16 : index
      %swap3A_32 = tpu.vector_load %arg9[%swap3A_30, %swap3A_31] {strides = array<i32>} : memref<64x128xf32, #tpu.memory_space<vmem>>, vector<1x16xf32>,
      %swap3A_33 = vector.shape_cast %swap3A_32 : vector<1x16xf32> to vector<16xf32>
      %swap3A_34 = vector.shape_cast %broadcast_in_dim3A_1 : vector<16xf32> to vector<1x16xf32>
      tpu.vector_store %arg9[%swap3A_30, %swap3A_31], %swap3A_34 {strides = array<i32>} : memref<64x128xf32, #tpu.memory_space<vmem>>, vector<1x16xf32>,
      %swap3A_35 = arith.index_cast %scan3A_25 : i32 to index
      %swap3A_36 = arith.constant 32 : index
      %swap3A_37 = tpu.vector_load %arg9[%swap3A_35, %swap3A_36] {strides = array<i32>} : memref<64x128xf32, #tpu.memory_space<vmem>>, vector<1x16xf32>,
      %swap3A_38 = vector.shape_cast %swap3A_37 : vector<1x16xf32> to vector<16xf32>
      %swap3A_39 = vector.shape_cast %broadcast_in_dim3A_1 : vector<16xf32> to vector<1x16xf32>
      tpu.vector_store %arg9[%swap3A_35, %swap3A_36], %swap3A_39 {strides = array<i32>} : memref<64x128xf32, #tpu.memory_space<vmem>>, vector<1x16xf32>,
      %swap3A_40 = arith.index_cast %scan3A_25 : i32 to index
      %swap3A_41 = arith.constant 48 : index
      %swap3A_42 = tpu.vector_load %arg9[%swap3A_40, %swap3A_41] {strides = array<i32>} : memref<64x128xf32, #tpu.memory_space<vmem>>, vector<1x16xf32>,
      %swap3A_43 = vector.shape_cast %swap3A_42 : vector<1x16xf32> to vector<16xf32>
      %swap3A_44 = vector.shape_cast %broadcast_in_dim3A_1 : vector<16xf32> to vector<1x16xf32>
      tpu.vector_store %arg9[%swap3A_40, %swap3A_41], %swap3A_44 {strides = array<i32>} : memref<64x128xf32, #tpu.memory_space<vmem>>, vector<1x16xf32>,
      %swap3A_45 = arith.index_cast %scan3A_25 : i32 to index
      %swap3A_46 = arith.constant 64 : index
      %swap3A_47 = tpu.vector_load %arg9[%swap3A_45, %swap3A_46] {strides = array<i32>} : memref<64x128xf32, #tpu.memory_space<vmem>>, vector<1x16xf32>,
      %swap3A_48 = vector.shape_cast %swap3A_47 : vector<1x16xf32> to vector<16xf32>
      %swap3A_49 = vector.shape_cast %broadcast_in_dim3A_1 : vector<16xf32> to vector<1x16xf32>
      tpu.vector_store %arg9[%swap3A_45, %swap3A_46], %swap3A_49 {strides = array<i32>} : memref<64x128xf32, #tpu.memory_space<vmem>>, vector<1x16xf32>,
      %swap3A_50 = arith.index_cast %scan3A_25 : i32 to index
      %swap3A_51 = arith.constant 80 : index
      %swap3A_52 = tpu.vector_load %arg9[%swap3A_50, %swap3A_51] {strides = array<i32>} : memref<64x128xf32, #tpu.memory_space<vmem>>, vector<1x16xf32>,
      %swap3A_53 = vector.shape_cast %swap3A_52 : vector<1x16xf32> to vector<16xf32>
      %swap3A_54 = vector.shape_cast %broadcast_in_dim3A_1 : vector<16xf32> to vector<1x16xf32>
      tpu.vector_store %arg9[%swap3A_50, %swap3A_51], %swap3A_54 {strides = array<i32>} : memref<64x128xf32, #tpu.memory_space<vmem>>, vector<1x16xf32>,
      %swap3A_55 = arith.index_cast %scan3A_25 : i32 to index
      %swap3A_56 = arith.constant 96 : index
      %swap3A_57 = tpu.vector_load %arg9[%swap3A_55, %swap3A_56] {strides = array<i32>} : memref<64x128xf32, #tpu.memory_space<vmem>>, vector<1x16xf32>,
      %swap3A_58 = vector.shape_cast %swap3A_57 : vector<1x16xf32> to vector<16xf32>
      %swap3A_59 = vector.shape_cast %broadcast_in_dim3A_1 : vector<16xf32> to vector<1x16xf32>
      tpu.vector_store %arg9[%swap3A_55, %swap3A_56], %swap3A_59 {strides = array<i32>} : memref<64x128xf32, #tpu.memory_space<vmem>>, vector<1x16xf32>,
      %swap3A_60 = arith.index_cast %scan3A_25 : i32 to index
      %swap3A_61 = arith.constant 112 : index
      %swap3A_62 = tpu.vector_load %arg9[%swap3A_60, %swap3A_61] {strides = array<i32>} : memref<64x128xf32, #tpu.memory_space<vmem>>, vector<1x16xf32>,
      %swap3A_63 = vector.shape_cast %swap3A_62 : vector<1x16xf32> to vector<16xf32>
      %swap3A_64 = vector.shape_cast %broadcast_in_dim3A_1 : vector<16xf32> to vector<1x16xf32>
      tpu.vector_store %arg9[%swap3A_60, %swap3A_61], %swap3A_64 {strides = array<i32>} : memref<64x128xf32, #tpu.memory_space<vmem>>, vector<1x16xf32>,
    }
    %scan3A_6 = arith.constant 64 : i32
    %mul3A_7 = arith.constant 640 : i32
    %mul3A_8 = arith.muli %arg1, %mul3A_7 : i32
    %scan3A_9 = arith.constant 0 : i32
    %scan3A_10 = arith.constant 0 : i32
    %scan3A_11 = arith.constant 10 : i32
    %scan3A_12 = arith.addi %scan3A_10, %scan3A_11 : i32
    %scan3A_13 = arith.constant 1 : i32
    scf.for %scan3A_25 = %scan3A_10 to %scan3A_12 step %scan3A_13  : i32 {
      %mul3A_26 = arith.constant 64 : i32
      %mul3A_27 = arith.muli %scan3A_25, %mul3A_26 : i32
      %add3A_28 = arith.addi %mul3A_8, %mul3A_27 : i32
      "tpu.region"() ({
        %run_scoped3A = tpu.sem_alloc : memref<!tpu.dma_semaphore, #tpu.memory_space<semaphore_mem>>
        %dma_start3A = arith.constant 0 : i32
        %dma_start3A_29 = tpu.memref_slice %arg10[%add3A_28, %dma_start3A] : memref<10240x128xf32, #tpu.memory_space<vmem_shared>> -> memref<64x128xf32, #tpu.memory_space<vmem_shared>>
        %dma_start3A_30 = arith.constant 0 : i32
        %dma_start3A_31 = tpu.memref_slice %arg10[%add3A_28, %dma_start3A_30] : memref<10240x128xf32, #tpu.memory_space<vmem_shared>> -> memref<64x128xf32, #tpu.memory_space<vmem_shared>>
        tpu.enqueue_dma source(%arg9 : memref<64x128xf32, #tpu.memory_space<vmem>>) target(%dma_start3A_31 : memref<64x128xf32, #tpu.memory_space<vmem_shared>>) target_semaphore(%run_scoped3A : memref<!tpu.dma_semaphore, #tpu.memory_space<semaphore_mem>>)
        %dma_wait3A = arith.constant 0 : i32
        %dma_wait3A_32 = tpu.memref_slice %arg10[%add3A_28, %dma_wait3A] : memref<10240x128xf32, #tpu.memory_space<vmem_shared>> -> memref<64x128xf32, #tpu.memory_space<vmem_shared>>
        %dma_wait3A_33 = arith.constant 0 : i32
        %dma_wait3A_34 = tpu.memref_slice %arg10[%add3A_28, %dma_wait3A_33] : memref<10240x128xf32, #tpu.memory_space<vmem_shared>> -> memref<64x128xf32, #tpu.memory_space<vmem_shared>>
        tpu.wait_dma2 semaphore(%run_scoped3A : memref<!tpu.dma_semaphore, #tpu.memory_space<semaphore_mem>>) src(%arg9 : memref<64x128xf32, #tpu.memory_space<vmem>>) dst(%dma_wait3A_34 : memref<64x128xf32, #tpu.memory_space<vmem_shared>>)
        tpu.yield
      }) : () -> ()
    }
    %scan3A_14 = arith.constant 10 : i32
    %barrier3A = arith.constant 0 : index
    tpu.barrier barrier_id(%barrier3A)
    %scan3A_15 = arith.constant 0 : i32
    %scan3A_16 = arith.constant 0 : i32
    %scan3A_17 = arith.constant 79 : i32
    %scan3A_18 = arith.addi %scan3A_16, %scan3A_17 : i32
    %scan3A_19 = arith.constant 1 : i32
    scf.for %scan3A_25 = %scan3A_16 to %scan3A_18 step %scan3A_19  : i32 {
      %mul3A_26 = arith.constant 79 : i32
      %mul3A_27 = arith.muli %add3A, %mul3A_26 : i32
      %add3A_28 = arith.addi %mul3A_27, %scan3A_25 : i32
      %mul3A_29 = arith.constant 128 : i32
      %mul3A_30 = arith.muli %add3A_28, %mul3A_29 : i32
      "tpu.region"() ({
        %run_scoped3A = tpu.sem_alloc : memref<!tpu.dma_semaphore, #tpu.memory_space<semaphore_mem>>
        %dma_start3A_35 = tpu.memref_slice %arg2[%mul3A_30] : memref<323584xi32, #tpu.memory_space<hbm>> -> memref<128xi32, #tpu.memory_space<hbm>>
        %dma_start3A_36 = tpu.memref_slice %arg2[%mul3A_30] : memref<323584xi32, #tpu.memory_space<hbm>> -> memref<128xi32, #tpu.memory_space<hbm>>
        tpu.enqueue_dma source(%dma_start3A_36 : memref<128xi32, #tpu.memory_space<hbm>>) target(%arg6 : memref<128xi32, #tpu.memory_space<vmem>>) target_semaphore(%run_scoped3A : memref<!tpu.dma_semaphore, #tpu.memory_space<semaphore_mem>>)
        %dma_wait3A_37 = tpu.memref_slice %arg2[%mul3A_30] : memref<323584xi32, #tpu.memory_space<hbm>> -> memref<128xi32, #tpu.memory_space<hbm>>
        %dma_wait3A_38 = tpu.memref_slice %arg2[%mul3A_30] : memref<323584xi32, #tpu.memory_space<hbm>> -> memref<128xi32, #tpu.memory_space<hbm>>
        tpu.wait_dma2 semaphore(%run_scoped3A : memref<!tpu.dma_semaphore, #tpu.memory_space<semaphore_mem>>) src(%dma_wait3A_38 : memref<128xi32, #tpu.memory_space<hbm>>) dst(%arg6 : memref<128xi32, #tpu.memory_space<vmem>>)
        tpu.yield
      }) : () -> ()
      "tpu.region"() ({
        %run_scoped3A = tpu.sem_alloc : memref<!tpu.dma_semaphore, #tpu.memory_space<semaphore_mem>>
        %dma_start3A_35 = tpu.memref_slice %arg3[%mul3A_30] : memref<323584xi32, #tpu.memory_space<hbm>> -> memref<128xi32, #tpu.memory_space<hbm>>
        %dma_start3A_36 = tpu.memref_slice %arg3[%mul3A_30] : memref<323584xi32, #tpu.memory_space<hbm>> -> memref<128xi32, #tpu.memory_space<hbm>>
        tpu.enqueue_dma source(%dma_start3A_36 : memref<128xi32, #tpu.memory_space<hbm>>) target(%arg7 : memref<128xi32, #tpu.memory_space<vmem>>) target_semaphore(%run_scoped3A : memref<!tpu.dma_semaphore, #tpu.memory_space<semaphore_mem>>)
        %dma_wait3A_37 = tpu.memref_slice %arg3[%mul3A_30] : memref<323584xi32, #tpu.memory_space<hbm>> -> memref<128xi32, #tpu.memory_space<hbm>>
        %dma_wait3A_38 = tpu.memref_slice %arg3[%mul3A_30] : memref<323584xi32, #tpu.memory_space<hbm>> -> memref<128xi32, #tpu.memory_space<hbm>>
        tpu.wait_dma2 semaphore(%run_scoped3A : memref<!tpu.dma_semaphore, #tpu.memory_space<semaphore_mem>>) src(%dma_wait3A_38 : memref<128xi32, #tpu.memory_space<hbm>>) dst(%arg7 : memref<128xi32, #tpu.memory_space<vmem>>)
        tpu.yield
      }) : () -> ()
      %dma_start3A = arith.constant 0 : i32
      %dma_start3A_31 = arith.constant 0 : i32
      %dma_start3A_32 = tpu.memref_slice %arg4[%dma_start3A, %dma_start3A_31] : memref<10000x128xf32, #tpu.memory_space<hbm>> -> memref<10000x128xf32, #tpu.memory_space<hbm>>
      tpu.enqueue_indirect_dma source(%dma_start3A_32 : memref<10000x128xf32, #tpu.memory_space<hbm>>) target(%arg8 : memref<128x128xf32, #tpu.memory_space<vmem>>) offsets(%arg6 : memref<128xi32, #tpu.memory_space<vmem>>) semaphore(%arg11 : memref<!tpu.dma_semaphore, #tpu.memory_space<semaphore_mem>>)
      %dma_wait3A = arith.constant 0 : i32
      %dma_wait3A_33 = arith.constant 0 : i32
      %dma_wait3A_34 = tpu.memref_slice %arg4[%dma_wait3A, %dma_wait3A_33] : memref<10000x128xf32, #tpu.memory_space<hbm>> -> memref<10000x128xf32, #tpu.memory_space<hbm>>
      tpu.wait_indirect_dma semaphore(%arg11 : memref<!tpu.dma_semaphore, #tpu.memory_space<semaphore_mem>>) src(%dma_wait3A_34 : memref<10000x128xf32, #tpu.memory_space<hbm>>) dst(%arg8 : memref<128x128xf32, #tpu.memory_space<vmem>>)
      "tpu.region"() ({
        %run_scoped3A = tpu.sem_alloc : memref<!tpu.dma_semaphore, #tpu.memory_space<semaphore_mem>>
        %dma_start3A_35 = arith.constant 0 : i32
        %dma_start3A_36 = arith.constant 0 : i32
        %dma_start3A_37 = tpu.memref_slice %arg10[%dma_start3A_35, %dma_start3A_36] : memref<10240x128xf32, #tpu.memory_space<vmem_shared>> -> memref<10240x128xf32, #tpu.memory_space<vmem_shared>>
        tpu.enqueue_indirect_dma source(%arg8 : memref<128x128xf32, #tpu.memory_space<vmem>>) target(%dma_start3A_37 : memref<10240x128xf32, #tpu.memory_space<vmem_shared>>) offsets(%arg7 : memref<128xi32, #tpu.memory_space<vmem>>) semaphore(%run_scoped3A : memref<!tpu.dma_semaphore, #tpu.memory_space<semaphore_mem>>) {add = true}
        %dma_wait3A_38 = arith.constant 0 : i32
        %dma_wait3A_39 = arith.constant 0 : i32
        %dma_wait3A_40 = tpu.memref_slice %arg10[%dma_wait3A_38, %dma_wait3A_39] : memref<10240x128xf32, #tpu.memory_space<vmem_shared>> -> memref<10240x128xf32, #tpu.memory_space<vmem_shared>>
        tpu.wait_indirect_dma semaphore(%run_scoped3A : memref<!tpu.dma_semaphore, #tpu.memory_space<semaphore_mem>>) src(%arg8 : memref<128x128xf32, #tpu.memory_space<vmem>>) dst(%dma_wait3A_40 : memref<10240x128xf32, #tpu.memory_space<vmem_shared>>)
        tpu.yield
      }) : () -> ()
    }
    %scan3A_20 = arith.constant 79 : i32
    %barrier3A_21 = arith.constant 0 : index
    tpu.barrier barrier_id(%barrier3A_21)
    %mul3A_22 = arith.constant 10240 : i32
    %mul3A_23 = arith.muli %arg0, %mul3A_22 : i32
    %add3A_24 = arith.addi %mul3A_23, %mul3A_8 : i32
    "tpu.region"() ({
      %run_scoped3A = tpu.sem_alloc : memref<!tpu.dma_semaphore, #tpu.memory_space<semaphore_mem>>
      %dma_start3A = arith.constant 0 : i32
      %dma_start3A_25 = tpu.memref_slice %arg5[%add3A_24, %dma_start3A] : memref<20480x128xf32, #tpu.memory_space<hbm>> -> memref<640x128xf32, #tpu.memory_space<hbm>>
      %dma_start3A_26 = arith.constant 0 : i32
      %dma_start3A_27 = tpu.memref_slice %arg10[%mul3A_8, %dma_start3A_26] : memref<10240x128xf32, #tpu.memory_space<vmem_shared>> -> memref<640x128xf32, #tpu.memory_space<vmem_shared>>
      tpu.enqueue_dma source(%dma_start3A_27 : memref<640x128xf32, #tpu.memory_space<vmem_shared>>) target(%dma_start3A_25 : memref<640x128xf32, #tpu.memory_space<hbm>>) target_semaphore(%run_scoped3A : memref<!tpu.dma_semaphore, #tpu.memory_space<semaphore_mem>>)
      %dma_wait3A = arith.constant 0 : i32
      %dma_wait3A_28 = tpu.memref_slice %arg5[%add3A_24, %dma_wait3A] : memref<20480x128xf32, #tpu.memory_space<hbm>> -> memref<640x128xf32, #tpu.memory_space<hbm>>
      %dma_wait3A_29 = arith.constant 0 : i32
      %dma_wait3A_30 = tpu.memref_slice %arg10[%mul3A_8, %dma_wait3A_29] : memref<10240x128xf32, #tpu.memory_space<vmem_shared>> -> memref<640x128xf32, #tpu.memory_space<vmem_shared>>
      tpu.wait_dma2 semaphore(%run_scoped3A : memref<!tpu.dma_semaphore, #tpu.memory_space<semaphore_mem>>) src(%dma_wait3A_30 : memref<640x128xf32, #tpu.memory_space<vmem_shared>>) dst(%dma_wait3A_28 : memref<640x128xf32, #tpu.memory_space<hbm>>)
      tpu.yield
    }) : () -> ()
    return
  }
}

module attributes {stable_mosaic.version = 14 : i64} {
  func.func @lin1_body(%arg0: i32, %arg1: memref<1000x128xf32, #tpu.memory_space<vmem>>, %arg2: memref<128x128xf32, #tpu.memory_space<vmem>>, %arg3: memref<1x128xf32, #tpu.memory_space<vmem>>, %arg4: memref<1000x128xf32, #tpu.memory_space<vmem>>) attributes {dimension_semantics = [#tpu.dimension_semantics<arbitrary>], iteration_bounds = array<i64: 10>, scalar_prefetch = 0 : i64, scratch_operands = 0 : i64, tpu.core_type = #tpu.core_type<tc>, window_params = [{transform_indices = @transform_0, window_bounds = array<i64: 1000, 128>}, {pipeline_mode = #tpu.pipeline_mode<synchronous>, transform_indices = @transform_1, window_bounds = array<i64: 128, 128>}, {pipeline_mode = #tpu.pipeline_mode<synchronous>, transform_indices = @transform_2, window_bounds = array<i64: 1, 128>}, {transform_indices = @transform_3, window_bounds = array<i64: 1000, 128>}]} {
    %get3A = arith.constant 0 : index
    %get3A_0 = arith.constant 0 : index
    %get3A_1 = vector.load %arg1[%get3A, %get3A_0] : memref<1000x128xf32, #tpu.memory_space<vmem>>, vector<1000x128xf32>
    %get3A_2 = arith.constant 0 : index
    %get3A_3 = arith.constant 0 : index
    %get3A_4 = vector.load %arg2[%get3A_2, %get3A_3] : memref<128x128xf32, #tpu.memory_space<vmem>>, vector<128x128xf32>
    %dot_general3A = arith.constant dense<0.000000e+00> : vector<1000x128xf32>
    %dot_general3A_5 = tpu.matmul %get3A_1, %get3A_4, %dot_general3A {dimension_numbers = #tpu.dot_dimension_numbers<[1], [0], [0], [1], [0, 0, 1, 1], [], []>, transpose_lhs_hint = false} : vector<1000x128xf32>, vector<128x128xf32>, vector<1000x128xf32> -> vector<1000x128xf32>
    %get3A_6 = arith.constant 0 : index
    %get3A_7 = arith.constant 0 : index
    %get3A_8 = vector.load %arg3[%get3A_6, %get3A_7] : memref<1x128xf32, #tpu.memory_space<vmem>>, vector<1x128xf32>
    %add3A = vector.broadcast %get3A_8 : vector<1x128xf32> to vector<1000x128xf32>
    %add3A_9 = arith.addf %dot_general3A_5, %add3A : vector<1000x128xf32>
    %swap3A = arith.constant 0 : index
    %swap3A_10 = arith.constant 0 : index
    %swap3A_11 = vector.load %arg4[%swap3A, %swap3A_10] : memref<1000x128xf32, #tpu.memory_space<vmem>>, vector<1000x128xf32>
    tpu.vector_store %arg4[%swap3A, %swap3A_10], %add3A_9 {strides = array<i32>} : memref<1000x128xf32, #tpu.memory_space<vmem>>, vector<1000x128xf32>,
    return
  }
  func.func @transform_0(%arg0: i32) -> (i32, i32) {
    %c0_i32 = arith.constant 0 : i32
    %c0_i32_0 = arith.constant 0 : i32
    return %arg0, %c0_i32 : i32, i32
  }
  func.func @transform_1(%arg0: i32) -> (i32, i32) {
    %c0_i32 = arith.constant 0 : i32
    %c0_i32_0 = arith.constant 0 : i32
    %c0_i32_1 = arith.constant 0 : i32
    return %c0_i32, %c0_i32_0 : i32, i32
  }
  func.func @transform_2(%arg0: i32) -> (i32, i32) {
    %c0_i32 = arith.constant 0 : i32
    %c0_i32_0 = arith.constant 0 : i32
    %c0_i32_1 = arith.constant 0 : i32
    return %c0_i32, %c0_i32_0 : i32, i32
  }
  func.func @transform_3(%arg0: i32) -> (i32, i32) {
    %c0_i32 = arith.constant 0 : i32
    %c0_i32_0 = arith.constant 0 : i32
    return %arg0, %c0_i32 : i32, i32
  }
}

module attributes {stable_mosaic.version = 14 : i64} {
  func.func @sage1_body(%arg0: i32, %arg1: memref<1000x128xf32, #tpu.memory_space<vmem>>, %arg2: memref<2x1000x128xf32, #tpu.memory_space<vmem>>, %arg3: memref<2x1000x128xf32, #tpu.memory_space<vmem>>, %arg4: memref<128x128xf32, #tpu.memory_space<vmem>>, %arg5: memref<128x128xf32, #tpu.memory_space<vmem>>, %arg6: memref<1x128xf32, #tpu.memory_space<vmem>>, %arg7: memref<1000x128xf32, #tpu.memory_space<vmem>>, %arg8: memref<1000x128xf32, #tpu.memory_space<vmem>>) attributes {dimension_semantics = [#tpu.dimension_semantics<arbitrary>], iteration_bounds = array<i64: 10>, scalar_prefetch = 0 : i64, scratch_operands = 0 : i64, tpu.core_type = #tpu.core_type<tc>, window_params = [{transform_indices = @transform_0, window_bounds = array<i64: 1000, 128>}, {transform_indices = @transform_1, window_bounds = array<i64: 2, 1000, 128>}, {transform_indices = @transform_2, window_bounds = array<i64: 2, 1000, 128>}, {pipeline_mode = #tpu.pipeline_mode<synchronous>, transform_indices = @transform_3, window_bounds = array<i64: 128, 128>}, {pipeline_mode = #tpu.pipeline_mode<synchronous>, transform_indices = @transform_4, window_bounds = array<i64: 128, 128>}, {pipeline_mode = #tpu.pipeline_mode<synchronous>, transform_indices = @transform_5, window_bounds = array<i64: 1, 128>}, {transform_indices = @transform_6, window_bounds = array<i64: 1000, 128>}, {transform_indices = @transform_7, window_bounds = array<i64: 1000, 128>}]} {
    %get3A = arith.constant 0 : index
    %get3A_0 = arith.constant 0 : index
    %get3A_1 = vector.load %arg1[%get3A, %get3A_0] : memref<1000x128xf32, #tpu.memory_space<vmem>>, vector<1000x128xf32>
    %get3A_2 = arith.constant 0 : index
    %get3A_3 = arith.constant 0 : index
    %get3A_4 = arith.constant 0 : index
    %get3A_5 = vector.load %arg2[%get3A_2, %get3A_3, %get3A_4] : memref<2x1000x128xf32, #tpu.memory_space<vmem>>, vector<2x1000x128xf32>
    %slice3A = vector.extract_strided_slice %get3A_5 {offsets = [0, 0, 0], sizes = [1, 1000, 128], strides = [1, 1, 1]} : vector<2x1000x128xf32> to vector<1x1000x128xf32>
    %squeeze3A = vector.shape_cast %slice3A : vector<1x1000x128xf32> to vector<1000x128xf32>
    %slice3A_6 = vector.extract_strided_slice %get3A_5 {offsets = [1, 0, 0], sizes = [1, 1000, 128], strides = [1, 1, 1]} : vector<2x1000x128xf32> to vector<1x1000x128xf32>
    %squeeze3A_7 = vector.shape_cast %slice3A_6 : vector<1x1000x128xf32> to vector<1000x128xf32>
    %add3A = arith.addf %squeeze3A, %squeeze3A_7 : vector<1000x128xf32>
    %get3A_8 = arith.constant 0 : index
    %get3A_9 = arith.constant 0 : index
    %get3A_10 = arith.constant 0 : index
    %get3A_11 = vector.load %arg3[%get3A_8, %get3A_9, %get3A_10] : memref<2x1000x128xf32, #tpu.memory_space<vmem>>, vector<2x1000x128xf32>
    %slice3A_12 = vector.extract_strided_slice %get3A_11 {offsets = [0, 0, 0], sizes = [1, 1000, 128], strides = [1, 1, 1]} : vector<2x1000x128xf32> to vector<1x1000x128xf32>
    %squeeze3A_13 = vector.shape_cast %slice3A_12 : vector<1x1000x128xf32> to vector<1000x128xf32>
    %slice3A_14 = vector.extract_strided_slice %squeeze3A_13 {offsets = [0, 0], sizes = [1000, 1], strides = [1, 1]} : vector<1000x128xf32> to vector<1000x1xf32>
    %slice3A_15 = vector.extract_strided_slice %get3A_11 {offsets = [1, 0, 0], sizes = [1, 1000, 128], strides = [1, 1, 1]} : vector<2x1000x128xf32> to vector<1x1000x128xf32>
    %squeeze3A_16 = vector.shape_cast %slice3A_15 : vector<1x1000x128xf32> to vector<1000x128xf32>
    %slice3A_17 = vector.extract_strided_slice %squeeze3A_16 {offsets = [0, 0], sizes = [1000, 1], strides = [1, 1]} : vector<1000x128xf32> to vector<1000x1xf32>
    %add3A_18 = arith.addf %slice3A_14, %slice3A_17 : vector<1000x1xf32>
    %max3A = arith.constant 1.000000e+00 : f32
    %max3A_19 = vector.broadcast %max3A : f32 to vector<1000x1xf32>
    %max3A_20 = arith.maximumf %add3A_18, %max3A_19 : vector<1000x1xf32>
    %div3A = vector.broadcast %max3A_20 : vector<1000x1xf32> to vector<1000x128xf32>
    %div3A_21 = arith.divf %add3A, %div3A : vector<1000x128xf32>
    %get3A_22 = arith.constant 0 : index
    %get3A_23 = arith.constant 0 : index
    %get3A_24 = vector.load %arg4[%get3A_22, %get3A_23] : memref<128x128xf32, #tpu.memory_space<vmem>>, vector<128x128xf32>
    %dot_general3A = arith.constant dense<0.000000e+00> : vector<1000x128xf32>
    %dot_general3A_25 = tpu.matmul %get3A_1, %get3A_24, %dot_general3A {dimension_numbers = #tpu.dot_dimension_numbers<[1], [0], [0], [1], [0, 0, 1, 1], [], []>, transpose_lhs_hint = false} : vector<1000x128xf32>, vector<128x128xf32>, vector<1000x128xf32> -> vector<1000x128xf32>
    %get3A_26 = arith.constant 0 : index
    %get3A_27 = arith.constant 0 : index
    %get3A_28 = vector.load %arg5[%get3A_26, %get3A_27] : memref<128x128xf32, #tpu.memory_space<vmem>>, vector<128x128xf32>
    %dot_general3A_29 = arith.constant dense<0.000000e+00> : vector<1000x128xf32>
    %dot_general3A_30 = tpu.matmul %div3A_21, %get3A_28, %dot_general3A_29 {dimension_numbers = #tpu.dot_dimension_numbers<[1], [0], [0], [1], [0, 0, 1, 1], [], []>, transpose_lhs_hint = false} : vector<1000x128xf32>, vector<128x128xf32>, vector<1000x128xf32> -> vector<1000x128xf32>
    %add3A_31 = arith.addf %dot_general3A_25, %dot_general3A_30 : vector<1000x128xf32>
    %get3A_32 = arith.constant 0 : index
    %get3A_33 = arith.constant 0 : index
    %get3A_34 = vector.load %arg6[%get3A_32, %get3A_33] : memref<1x128xf32, #tpu.memory_space<vmem>>, vector<1x128xf32>
    %add3A_35 = vector.broadcast %get3A_34 : vector<1x128xf32> to vector<1000x128xf32>
    %add3A_36 = arith.addf %add3A_31, %add3A_35 : vector<1000x128xf32>
    %max3A_37 = arith.constant 0.000000e+00 : f32
    %max3A_38 = vector.broadcast %max3A_37 : f32 to vector<1000x128xf32>
    %max3A_39 = arith.maximumf %add3A_36, %max3A_38 : vector<1000x128xf32>
    %swap3A = arith.constant 0 : index
    %swap3A_40 = arith.constant 0 : index
    %swap3A_41 = vector.load %arg7[%swap3A, %swap3A_40] : memref<1000x128xf32, #tpu.memory_space<vmem>>, vector<1000x128xf32>
    tpu.vector_store %arg7[%swap3A, %swap3A_40], %max3A_39 {strides = array<i32>} : memref<1000x128xf32, #tpu.memory_space<vmem>>, vector<1000x128xf32>,
    %broadcast_in_dim3A = vector.shape_cast %max3A_20 : vector<1000x1xf32> to vector<1000x1xf32>
    %broadcast_in_dim3A_42 = vector.broadcast %broadcast_in_dim3A : vector<1000x1xf32> to vector<1000x128xf32>
    %swap3A_43 = arith.constant 0 : index
    %swap3A_44 = arith.constant 0 : index
    %swap3A_45 = vector.load %arg8[%swap3A_43, %swap3A_44] : memref<1000x128xf32, #tpu.memory_space<vmem>>, vector<1000x128xf32>
    tpu.vector_store %arg8[%swap3A_43, %swap3A_44], %broadcast_in_dim3A_42 {strides = array<i32>} : memref<1000x128xf32, #tpu.memory_space<vmem>>, vector<1000x128xf32>,
    return
  }
  func.func @transform_0(%arg0: i32) -> (i32, i32) {
    %c0_i32 = arith.constant 0 : i32
    %c0_i32_0 = arith.constant 0 : i32
    return %arg0, %c0_i32 : i32, i32
  }
  func.func @transform_1(%arg0: i32) -> (i32, i32, i32) {
    %c0_i32 = arith.constant 0 : i32
    %c0_i32_0 = arith.constant 0 : i32
    %c0_i32_1 = arith.constant 0 : i32
    return %c0_i32, %arg0, %c0_i32_0 : i32, i32, i32
  }
  func.func @transform_2(%arg0: i32) -> (i32, i32, i32) {
    %c0_i32 = arith.constant 0 : i32
    %c0_i32_0 = arith.constant 0 : i32
    %c0_i32_1 = arith.constant 0 : i32
    return %c0_i32, %arg0, %c0_i32_0 : i32, i32, i32
  }
  func.func @transform_3(%arg0: i32) -> (i32, i32) {
    %c0_i32 = arith.constant 0 : i32
    %c0_i32_0 = arith.constant 0 : i32
    %c0_i32_1 = arith.constant 0 : i32
    return %c0_i32, %c0_i32_0 : i32, i32
  }
  func.func @transform_4(%arg0: i32) -> (i32, i32) {
    %c0_i32 = arith.constant 0 : i32
    %c0_i32_0 = arith.constant 0 : i32
    %c0_i32_1 = arith.constant 0 : i32
    return %c0_i32, %c0_i32_0 : i32, i32
  }
  func.func @transform_5(%arg0: i32) -> (i32, i32) {
    %c0_i32 = arith.constant 0 : i32
    %c0_i32_0 = arith.constant 0 : i32
    %c0_i32_1 = arith.constant 0 : i32
    return %c0_i32, %c0_i32_0 : i32, i32
  }
  func.func @transform_6(%arg0: i32) -> (i32, i32) {
    %c0_i32 = arith.constant 0 : i32
    %c0_i32_0 = arith.constant 0 : i32
    return %arg0, %c0_i32 : i32, i32
  }
  func.func @transform_7(%arg0: i32) -> (i32, i32) {
    %c0_i32 = arith.constant 0 : i32
    %c0_i32_0 = arith.constant 0 : i32
    return %arg0, %c0_i32 : i32, i32
  }
}

module attributes {stable_mosaic.version = 14 : i64} {
  func.func @sage2_body(%arg0: i32, %arg1: memref<1000x128xf32, #tpu.memory_space<vmem>>, %arg2: memref<2x1000x128xf32, #tpu.memory_space<vmem>>, %arg3: memref<1000x128xf32, #tpu.memory_space<vmem>>, %arg4: memref<128x128xf32, #tpu.memory_space<vmem>>, %arg5: memref<128x128xf32, #tpu.memory_space<vmem>>, %arg6: memref<1x128xf32, #tpu.memory_space<vmem>>, %arg7: memref<1000x128xf32, #tpu.memory_space<vmem>>, %arg8: memref<1000x128xf32, #tpu.memory_space<vmem>>) attributes {dimension_semantics = [#tpu.dimension_semantics<arbitrary>], iteration_bounds = array<i64: 10>, scalar_prefetch = 0 : i64, scratch_operands = 0 : i64, tpu.core_type = #tpu.core_type<tc>, window_params = [{transform_indices = @transform_0, window_bounds = array<i64: 1000, 128>}, {transform_indices = @transform_1, window_bounds = array<i64: 2, 1000, 128>}, {transform_indices = @transform_2, window_bounds = array<i64: 1000, 128>}, {pipeline_mode = #tpu.pipeline_mode<synchronous>, transform_indices = @transform_3, window_bounds = array<i64: 128, 128>}, {pipeline_mode = #tpu.pipeline_mode<synchronous>, transform_indices = @transform_4, window_bounds = array<i64: 128, 128>}, {pipeline_mode = #tpu.pipeline_mode<synchronous>, transform_indices = @transform_5, window_bounds = array<i64: 1, 128>}, {transform_indices = @transform_6, window_bounds = array<i64: 1000, 128>}, {transform_indices = @transform_7, window_bounds = array<i64: 1000, 128>}]} {
    %get3A = arith.constant 0 : index
    %get3A_0 = arith.constant 0 : index
    %get3A_1 = arith.constant 0 : index
    %get3A_2 = vector.load %arg2[%get3A, %get3A_0, %get3A_1] : memref<2x1000x128xf32, #tpu.memory_space<vmem>>, vector<2x1000x128xf32>
    %slice3A = vector.extract_strided_slice %get3A_2 {offsets = [0, 0, 0], sizes = [1, 1000, 128], strides = [1, 1, 1]} : vector<2x1000x128xf32> to vector<1x1000x128xf32>
    %squeeze3A = vector.shape_cast %slice3A : vector<1x1000x128xf32> to vector<1000x128xf32>
    %slice3A_3 = vector.extract_strided_slice %get3A_2 {offsets = [1, 0, 0], sizes = [1, 1000, 128], strides = [1, 1, 1]} : vector<2x1000x128xf32> to vector<1x1000x128xf32>
    %squeeze3A_4 = vector.shape_cast %slice3A_3 : vector<1x1000x128xf32> to vector<1000x128xf32>
    %add3A = arith.addf %squeeze3A, %squeeze3A_4 : vector<1000x128xf32>
    %get3A_5 = arith.constant 0 : index
    %get3A_6 = arith.constant 0 : index
    %get3A_7 = vector.load %arg3[%get3A_5, %get3A_6] : memref<1000x128xf32, #tpu.memory_space<vmem>>, vector<1000x128xf32>
    %div3A = arith.divf %add3A, %get3A_7 : vector<1000x128xf32>
    %get3A_8 = arith.constant 0 : index
    %get3A_9 = arith.constant 0 : index
    %get3A_10 = vector.load %arg1[%get3A_8, %get3A_9] : memref<1000x128xf32, #tpu.memory_space<vmem>>, vector<1000x128xf32>
    %get3A_11 = arith.constant 0 : index
    %get3A_12 = arith.constant 0 : index
    %get3A_13 = vector.load %arg4[%get3A_11, %get3A_12] : memref<128x128xf32, #tpu.memory_space<vmem>>, vector<128x128xf32>
    %dot_general3A = arith.constant dense<0.000000e+00> : vector<1000x128xf32>
    %dot_general3A_14 = tpu.matmul %get3A_10, %get3A_13, %dot_general3A {dimension_numbers = #tpu.dot_dimension_numbers<[1], [0], [0], [1], [0, 0, 1, 1], [], []>, transpose_lhs_hint = false} : vector<1000x128xf32>, vector<128x128xf32>, vector<1000x128xf32> -> vector<1000x128xf32>
    %get3A_15 = arith.constant 0 : index
    %get3A_16 = arith.constant 0 : index
    %get3A_17 = vector.load %arg5[%get3A_15, %get3A_16] : memref<128x128xf32, #tpu.memory_space<vmem>>, vector<128x128xf32>
    %dot_general3A_18 = arith.constant dense<0.000000e+00> : vector<1000x128xf32>
    %dot_general3A_19 = tpu.matmul %div3A, %get3A_17, %dot_general3A_18 {dimension_numbers = #tpu.dot_dimension_numbers<[1], [0], [0], [1], [0, 0, 1, 1], [], []>, transpose_lhs_hint = false} : vector<1000x128xf32>, vector<128x128xf32>, vector<1000x128xf32> -> vector<1000x128xf32>
    %add3A_20 = arith.addf %dot_general3A_14, %dot_general3A_19 : vector<1000x128xf32>
    %get3A_21 = arith.constant 0 : index
    %get3A_22 = arith.constant 0 : index
    %get3A_23 = vector.load %arg6[%get3A_21, %get3A_22] : memref<1x128xf32, #tpu.memory_space<vmem>>, vector<1x128xf32>
    %add3A_24 = vector.broadcast %get3A_23 : vector<1x128xf32> to vector<1000x128xf32>
    %add3A_25 = arith.addf %add3A_20, %add3A_24 : vector<1000x128xf32>
    %max3A = arith.constant 0.000000e+00 : f32
    %max3A_26 = vector.broadcast %max3A : f32 to vector<1000x128xf32>
    %max3A_27 = arith.maximumf %add3A_25, %max3A_26 : vector<1000x128xf32>
    %swap3A = arith.constant 0 : index
    %swap3A_28 = arith.constant 0 : index
    %swap3A_29 = vector.load %arg7[%swap3A, %swap3A_28] : memref<1000x128xf32, #tpu.memory_space<vmem>>, vector<1000x128xf32>
    tpu.vector_store %arg7[%swap3A, %swap3A_28], %max3A_27 {strides = array<i32>} : memref<1000x128xf32, #tpu.memory_space<vmem>>, vector<1000x128xf32>,
    %max3A_30 = arith.maximumf %get3A_10, %max3A_27 : vector<1000x128xf32>
    %swap3A_31 = arith.constant 0 : index
    %swap3A_32 = arith.constant 0 : index
    %swap3A_33 = vector.load %arg8[%swap3A_31, %swap3A_32] : memref<1000x128xf32, #tpu.memory_space<vmem>>, vector<1000x128xf32>
    tpu.vector_store %arg8[%swap3A_31, %swap3A_32], %max3A_30 {strides = array<i32>} : memref<1000x128xf32, #tpu.memory_space<vmem>>, vector<1000x128xf32>,
    return
  }
  func.func @transform_0(%arg0: i32) -> (i32, i32) {
    %c0_i32 = arith.constant 0 : i32
    %c0_i32_0 = arith.constant 0 : i32
    return %arg0, %c0_i32 : i32, i32
  }
  func.func @transform_1(%arg0: i32) -> (i32, i32, i32) {
    %c0_i32 = arith.constant 0 : i32
    %c0_i32_0 = arith.constant 0 : i32
    %c0_i32_1 = arith.constant 0 : i32
    return %c0_i32, %arg0, %c0_i32_0 : i32, i32, i32
  }
  func.func @transform_2(%arg0: i32) -> (i32, i32) {
    %c0_i32 = arith.constant 0 : i32
    %c0_i32_0 = arith.constant 0 : i32
    return %arg0, %c0_i32 : i32, i32
  }
  func.func @transform_3(%arg0: i32) -> (i32, i32) {
    %c0_i32 = arith.constant 0 : i32
    %c0_i32_0 = arith.constant 0 : i32
    %c0_i32_1 = arith.constant 0 : i32
    return %c0_i32, %c0_i32_0 : i32, i32
  }
  func.func @transform_4(%arg0: i32) -> (i32, i32) {
    %c0_i32 = arith.constant 0 : i32
    %c0_i32_0 = arith.constant 0 : i32
    %c0_i32_1 = arith.constant 0 : i32
    return %c0_i32, %c0_i32_0 : i32, i32
  }
  func.func @transform_5(%arg0: i32) -> (i32, i32) {
    %c0_i32 = arith.constant 0 : i32
    %c0_i32_0 = arith.constant 0 : i32
    %c0_i32_1 = arith.constant 0 : i32
    return %c0_i32, %c0_i32_0 : i32, i32
  }
  func.func @transform_6(%arg0: i32) -> (i32, i32) {
    %c0_i32 = arith.constant 0 : i32
    %c0_i32_0 = arith.constant 0 : i32
    return %arg0, %c0_i32 : i32, i32
  }
  func.func @transform_7(%arg0: i32) -> (i32, i32) {
    %c0_i32 = arith.constant 0 : i32
    %c0_i32_0 = arith.constant 0 : i32
    return %arg0, %c0_i32 : i32, i32
  }
}

module attributes {stable_mosaic.version = 14 : i64} {
  func.func @sage3_body(%arg0: i32, %arg1: memref<1000x128xf32, #tpu.memory_space<vmem>>, %arg2: memref<1000x128xf32, #tpu.memory_space<vmem>>, %arg3: memref<2x1000x128xf32, #tpu.memory_space<vmem>>, %arg4: memref<1000x128xf32, #tpu.memory_space<vmem>>, %arg5: memref<128x128xf32, #tpu.memory_space<vmem>>, %arg6: memref<128x128xf32, #tpu.memory_space<vmem>>, %arg7: memref<1x128xf32, #tpu.memory_space<vmem>>, %arg8: memref<128x128xf32, #tpu.memory_space<vmem>>, %arg9: memref<1x128xf32, #tpu.memory_space<vmem>>, %arg10: memref<128x128xf32, #tpu.memory_space<vmem>>, %arg11: memref<1x128xf32, #tpu.memory_space<vmem>>, %arg12: memref<1000x128xf32, #tpu.memory_space<vmem>>) attributes {dimension_semantics = [#tpu.dimension_semantics<arbitrary>], iteration_bounds = array<i64: 10>, scalar_prefetch = 0 : i64, scratch_operands = 0 : i64, tpu.core_type = #tpu.core_type<tc>, window_params = [{transform_indices = @transform_0, window_bounds = array<i64: 1000, 128>}, {transform_indices = @transform_1, window_bounds = array<i64: 1000, 128>}, {transform_indices = @transform_2, window_bounds = array<i64: 2, 1000, 128>}, {transform_indices = @transform_3, window_bounds = array<i64: 1000, 128>}, {pipeline_mode = #tpu.pipeline_mode<synchronous>, transform_indices = @transform_4, window_bounds = array<i64: 128, 128>}, {pipeline_mode = #tpu.pipeline_mode<synchronous>, transform_indices = @transform_5, window_bounds = array<i64: 128, 128>}, {pipeline_mode = #tpu.pipeline_mode<synchronous>, transform_indices = @transform_6, window_bounds = array<i64: 1, 128>}, {pipeline_mode = #tpu.pipeline_mode<synchronous>, transform_indices = @transform_7, window_bounds = array<i64: 128, 128>}, {pipeline_mode = #tpu.pipeline_mode<synchronous>, transform_indices = @transform_8, window_bounds = array<i64: 1, 128>}, {pipeline_mode = #tpu.pipeline_mode<synchronous>, transform_indices = @transform_9, window_bounds = array<i64: 128, 128>}, {pipeline_mode = #tpu.pipeline_mode<synchronous>, transform_indices = @transform_10, window_bounds = array<i64: 1, 128>}, {transform_indices = @transform_11, window_bounds = array<i64: 1000, 128>}]} {
    %get3A = arith.constant 0 : index
    %get3A_0 = arith.constant 0 : index
    %get3A_1 = arith.constant 0 : index
    %get3A_2 = vector.load %arg3[%get3A, %get3A_0, %get3A_1] : memref<2x1000x128xf32, #tpu.memory_space<vmem>>, vector<2x1000x128xf32>
    %slice3A = vector.extract_strided_slice %get3A_2 {offsets = [0, 0, 0], sizes = [1, 1000, 128], strides = [1, 1, 1]} : vector<2x1000x128xf32> to vector<1x1000x128xf32>
    %squeeze3A = vector.shape_cast %slice3A : vector<1x1000x128xf32> to vector<1000x128xf32>
    %slice3A_3 = vector.extract_strided_slice %get3A_2 {offsets = [1, 0, 0], sizes = [1, 1000, 128], strides = [1, 1, 1]} : vector<2x1000x128xf32> to vector<1x1000x128xf32>
    %squeeze3A_4 = vector.shape_cast %slice3A_3 : vector<1x1000x128xf32> to vector<1000x128xf32>
    %add3A = arith.addf %squeeze3A, %squeeze3A_4 : vector<1000x128xf32>
    %get3A_5 = arith.constant 0 : index
    %get3A_6 = arith.constant 0 : index
    %get3A_7 = vector.load %arg4[%get3A_5, %get3A_6] : memref<1000x128xf32, #tpu.memory_space<vmem>>, vector<1000x128xf32>
    %div3A = arith.divf %add3A, %get3A_7 : vector<1000x128xf32>
    %get3A_8 = arith.constant 0 : index
    %get3A_9 = arith.constant 0 : index
    %get3A_10 = vector.load %arg1[%get3A_8, %get3A_9] : memref<1000x128xf32, #tpu.memory_space<vmem>>, vector<1000x128xf32>
    %get3A_11 = arith.constant 0 : index
    %get3A_12 = arith.constant 0 : index
    %get3A_13 = vector.load %arg5[%get3A_11, %get3A_12] : memref<128x128xf32, #tpu.memory_space<vmem>>, vector<128x128xf32>
    %dot_general3A = arith.constant dense<0.000000e+00> : vector<1000x128xf32>
    %dot_general3A_14 = tpu.matmul %get3A_10, %get3A_13, %dot_general3A {dimension_numbers = #tpu.dot_dimension_numbers<[1], [0], [0], [1], [0, 0, 1, 1], [], []>, transpose_lhs_hint = false} : vector<1000x128xf32>, vector<128x128xf32>, vector<1000x128xf32> -> vector<1000x128xf32>
    %get3A_15 = arith.constant 0 : index
    %get3A_16 = arith.constant 0 : index
    %get3A_17 = vector.load %arg6[%get3A_15, %get3A_16] : memref<128x128xf32, #tpu.memory_space<vmem>>, vector<128x128xf32>
    %dot_general3A_18 = arith.constant dense<0.000000e+00> : vector<1000x128xf32>
    %dot_general3A_19 = tpu.matmul %div3A, %get3A_17, %dot_general3A_18 {dimension_numbers = #tpu.dot_dimension_numbers<[1], [0], [0], [1], [0, 0, 1, 1], [], []>, transpose_lhs_hint = false} : vector<1000x128xf32>, vector<128x128xf32>, vector<1000x128xf32> -> vector<1000x128xf32>
    %add3A_20 = arith.addf %dot_general3A_14, %dot_general3A_19 : vector<1000x128xf32>
    %get3A_21 = arith.constant 0 : index
    %get3A_22 = arith.constant 0 : index
    %get3A_23 = vector.load %arg7[%get3A_21, %get3A_22] : memref<1x128xf32, #tpu.memory_space<vmem>>, vector<1x128xf32>
    %add3A_24 = vector.broadcast %get3A_23 : vector<1x128xf32> to vector<1000x128xf32>
    %add3A_25 = arith.addf %add3A_20, %add3A_24 : vector<1000x128xf32>
    %max3A = arith.constant 0.000000e+00 : f32
    %max3A_26 = vector.broadcast %max3A : f32 to vector<1000x128xf32>
    %max3A_27 = arith.maximumf %add3A_25, %max3A_26 : vector<1000x128xf32>
    %get3A_28 = arith.constant 0 : index
    %get3A_29 = arith.constant 0 : index
    %get3A_30 = vector.load %arg2[%get3A_28, %get3A_29] : memref<1000x128xf32, #tpu.memory_space<vmem>>, vector<1000x128xf32>
    %max3A_31 = arith.maximumf %get3A_30, %max3A_27 : vector<1000x128xf32>
    %get3A_32 = arith.constant 0 : index
    %get3A_33 = arith.constant 0 : index
    %get3A_34 = vector.load %arg8[%get3A_32, %get3A_33] : memref<128x128xf32, #tpu.memory_space<vmem>>, vector<128x128xf32>
    %dot_general3A_35 = arith.constant dense<0.000000e+00> : vector<1000x128xf32>
    %dot_general3A_36 = tpu.matmul %max3A_31, %get3A_34, %dot_general3A_35 {dimension_numbers = #tpu.dot_dimension_numbers<[1], [0], [0], [1], [0, 0, 1, 1], [], []>, transpose_lhs_hint = false} : vector<1000x128xf32>, vector<128x128xf32>, vector<1000x128xf32> -> vector<1000x128xf32>
    %get3A_37 = arith.constant 0 : index
    %get3A_38 = arith.constant 0 : index
    %get3A_39 = vector.load %arg9[%get3A_37, %get3A_38] : memref<1x128xf32, #tpu.memory_space<vmem>>, vector<1x128xf32>
    %add3A_40 = vector.broadcast %get3A_39 : vector<1x128xf32> to vector<1000x128xf32>
    %add3A_41 = arith.addf %dot_general3A_36, %add3A_40 : vector<1000x128xf32>
    %max3A_42 = arith.constant 0.000000e+00 : f32
    %max3A_43 = vector.broadcast %max3A_42 : f32 to vector<1000x128xf32>
    %max3A_44 = arith.maximumf %add3A_41, %max3A_43 : vector<1000x128xf32>
    %get3A_45 = arith.constant 0 : index
    %get3A_46 = arith.constant 0 : index
    %get3A_47 = vector.load %arg10[%get3A_45, %get3A_46] : memref<128x128xf32, #tpu.memory_space<vmem>>, vector<128x128xf32>
    %dot_general3A_48 = arith.constant dense<0.000000e+00> : vector<1000x128xf32>
    %dot_general3A_49 = tpu.matmul %max3A_44, %get3A_47, %dot_general3A_48 {dimension_numbers = #tpu.dot_dimension_numbers<[1], [0], [0], [1], [0, 0, 1, 1], [], []>, transpose_lhs_hint = false} : vector<1000x128xf32>, vector<128x128xf32>, vector<1000x128xf32> -> vector<1000x128xf32>
    %get3A_50 = arith.constant 0 : index
    %get3A_51 = arith.constant 0 : index
    %get3A_52 = vector.load %arg11[%get3A_50, %get3A_51] : memref<1x128xf32, #tpu.memory_space<vmem>>, vector<1x128xf32>
    %add3A_53 = vector.broadcast %get3A_52 : vector<1x128xf32> to vector<1000x128xf32>
    %add3A_54 = arith.addf %dot_general3A_49, %add3A_53 : vector<1000x128xf32>
    %swap3A = arith.constant 0 : index
    %swap3A_55 = arith.constant 0 : index
    %swap3A_56 = vector.load %arg12[%swap3A, %swap3A_55] : memref<1000x128xf32, #tpu.memory_space<vmem>>, vector<1000x128xf32>
    tpu.vector_store %arg12[%swap3A, %swap3A_55], %add3A_54 {strides = array<i32>} : memref<1000x128xf32, #tpu.memory_space<vmem>>, vector<1000x128xf32>,
    return
  }
  func.func @transform_0(%arg0: i32) -> (i32, i32) {
    %c0_i32 = arith.constant 0 : i32
    %c0_i32_0 = arith.constant 0 : i32
    return %arg0, %c0_i32 : i32, i32
  }
  func.func @transform_1(%arg0: i32) -> (i32, i32) {
    %c0_i32 = arith.constant 0 : i32
    %c0_i32_0 = arith.constant 0 : i32
    return %arg0, %c0_i32 : i32, i32
  }
  func.func @transform_2(%arg0: i32) -> (i32, i32, i32) {
    %c0_i32 = arith.constant 0 : i32
    %c0_i32_0 = arith.constant 0 : i32
    %c0_i32_1 = arith.constant 0 : i32
    return %c0_i32, %arg0, %c0_i32_0 : i32, i32, i32
  }
  func.func @transform_3(%arg0: i32) -> (i32, i32) {
    %c0_i32 = arith.constant 0 : i32
    %c0_i32_0 = arith.constant 0 : i32
    return %arg0, %c0_i32 : i32, i32
  }
  func.func @transform_4(%arg0: i32) -> (i32, i32) {
    %c0_i32 = arith.constant 0 : i32
    %c0_i32_0 = arith.constant 0 : i32
    %c0_i32_1 = arith.constant 0 : i32
    return %c0_i32, %c0_i32_0 : i32, i32
  }
  func.func @transform_5(%arg0: i32) -> (i32, i32) {
    %c0_i32 = arith.constant 0 : i32
    %c0_i32_0 = arith.constant 0 : i32
    %c0_i32_1 = arith.constant 0 : i32
    return %c0_i32, %c0_i32_0 : i32, i32
  }
  func.func @transform_6(%arg0: i32) -> (i32, i32) {
    %c0_i32 = arith.constant 0 : i32
    %c0_i32_0 = arith.constant 0 : i32
    %c0_i32_1 = arith.constant 0 : i32
    return %c0_i32, %c0_i32_0 : i32, i32
  }
  func.func @transform_7(%arg0: i32) -> (i32, i32) {
    %c0_i32 = arith.constant 0 : i32
    %c0_i32_0 = arith.constant 0 : i32
    %c0_i32_1 = arith.constant 0 : i32
    return %c0_i32, %c0_i32_0 : i32, i32
  }
  func.func @transform_8(%arg0: i32) -> (i32, i32) {
    %c0_i32 = arith.constant 0 : i32
    %c0_i32_0 = arith.constant 0 : i32
    %c0_i32_1 = arith.constant 0 : i32
    return %c0_i32, %c0_i32_0 : i32, i32
  }
  func.func @transform_9(%arg0: i32) -> (i32, i32) {
    %c0_i32 = arith.constant 0 : i32
    %c0_i32_0 = arith.constant 0 : i32
    %c0_i32_1 = arith.constant 0 : i32
    return %c0_i32, %c0_i32_0 : i32, i32
  }
  func.func @transform_10(%arg0: i32) -> (i32, i32) {
    %c0_i32 = arith.constant 0 : i32
    %c0_i32_0 = arith.constant 0 : i32
    %c0_i32_1 = arith.constant 0 : i32
    return %c0_i32, %c0_i32_0 : i32, i32
  }
  func.func @transform_11(%arg0: i32) -> (i32, i32) {
    %c0_i32 = arith.constant 0 : i32
    %c0_i32_0 = arith.constant 0 : i32
    return %arg0, %c0_i32 : i32, i32
  }
}

</mosaic_0001>

<sc_bundles>
// kernel: kernel.10.cloned.1.call-start
scs
__scs_entry_jumppad:
0x0: {  	(pc) =	sbr.rel $0x88, $3  }
0x1: {  	(tag) =	ssettag $0x0;
	lr =	simm.s32 $0x1  }
0x2: {  	[smem:$0x3F96] =	sst lr;
	_ =	strace $0xD0000000  }
0x3: {  	_ = 	snop  }
0x4: {  	_ = 	snop  }
0x5: {  	_ = 	snop  }
0x6: {  	_ = 	snop  }
0x7: {  	_ = 	snop  }
__scs_overlays_trampoline_lowered:
0x8: {  	[smem:$0x3FA5] =	sst s0  }
0x9: {  	[smem:$0x3FA6] =	sst s1  }
0xa: {  	[smem:$0x3FA7] =	sst s2  }
0xb: {  	[smem:$0x3FA8] =	sst s3  }
0xc: {  	[smem:$0x3FA9] =	sst s4  }
0xd: {  	[smem:$0x3FAA] =	sst s5  }
0xe: {  	[smem:$0x3FAB] =	sst s6  }
0xf: {  	[smem:$0x3FAC] =	sst s7  }
0x10: {  	[smem:$0x3FAD] =	sst s8  }
0x11: {  	[smem:$0x3FAE] =	sst s9;
	s0 =	simm.s32 @!p0 $0x0  }
0x12: {  	s1 =	sld [smem:$0x3F94];
	s0 =	simm.s32 @p0 $0x1  }
0x13: {  	[smem:$0x3FAF] =	sst s0;
	s0 =	simm.s32 @!p1 $0x0  }
0x14: {  	s2 =	sld [smem:$0x3F93];
	s0 =	simm.s32 @p1 $0x1  }
0x15: {  	[smem:$0x3FB0] =	sst s0;
	s0 =	simm.s32 @!p2 $0x0  }
0x16: {  	s3 =	sld [smem:$0x3FDB];
	s0 =	simm.s32 @p2 $0x1  }
0x17: {  	s4 =	simm.s32 $0x1BF5;
	[smem:$0x3FB2] =	sst s0  }
0x18: {  	s0 =	sld [smem:$0x3F95];
	_ =	swait.ge [sflag:s4], $0x0  }
0x19: {  	s7 =	sld [smem:$0x3F96]  }
0x1a: {  	s8 =	sadd.s32 $0xFFFFE003, lr  }
0x1b: {  	s9 =	sadd.s32 $0xFFFFFEF7, lr;
	s5 =	simm.s32 $0xFFFFFFFF;
	p2 =	slt.u32 s8, $0xFFFFF086  }
0x1c: {  	p1 =	slt.u32 s9, $0xF7A;
	s5 =	simm.s32 @!p2 $0x0  }
0x1d: {  	s5 =	simm.s32 @p1 $0x1;
	p0 =	seq.s32 s7, s2  }
0x1e: {  	s7 =	smul.u32 @!p0 $0xF7A, s2;
	p2 =	seq.s32 @!p0 s5, $0x0  }
0x1f: {  	s9 =	smul.u32 $0xF7A, s1;
	s8 =	simm.s32 @!p0 $0x1BF5;
	p2 =	por !p2, p0  }
0x20: {  	[sflag:s8] =	ssyncset.s32 @!p0 $0xFFFFF086;
	s6 =	sadd.s32 @!p0 s3, s7;
	s7 =	simm.s32 @!p0 $0x108  }
0x21: {  	s3 =	sadd.s32 s3, s9;
	s6 =	sadd.s32 @!p0 $0x88, s6;
	s7 =	simm.s32 @p2 $0x1082  }
0x22: {  	[simem:s7], [sflag:s8] =	dma.local @!p0 [hbm:s6], $0xF7A  }
0x23: {  	s9 =	sor.u32 $0xD0000000, s2;
	s6 =	simm.s32 $0x108;
	_ =	swait.ge @!p0 [sflag:s8], $0x0  }
0x24: {  	s3 =	sadd.s32 $0x88, s3;
	s6 =	simm.s32 @!p1 $0x1082;
	[sflag:s4] =	ssyncset.s32 $0xFFFFF086  }
0x25: {  	[simem:s6], [sflag:s4] =	dma.local [hbm:s3], $0xF7A  }
0x26: {  	[smem:$0x3F96] =	sst s1;
	(tag) =	ssettag s2;
	_ =	strace s9  }
0x27: {  	s1 =	sld [smem:$0x3FA6]  }
0x28: {  	s2 =	sld [smem:$0x3FA7]  }
0x29: {  	s4 =	sld [smem:$0x3FA9]  }
0x2a: {  	p0 =	seq.s32 s5, $0x0;
	s5 =	sld [smem:$0x3FAA]  }
0x2b: {  	s6 =	sld [smem:$0x3FAB]  }
0x2c: {  	s7 =	sld [smem:$0x3FAC]  }
0x2d: {  	s3 =	simm.s32 $0x108;
	s8 =	sld [smem:$0x3FAD]  }
0x2e: {  	s3 =	simm.s32 @!p0 $0x1082;
	s9 =	sld [smem:$0x3FAE]  }
0x2f: {  	lr =	sadd.s32 s0, s3;
	s0 =	sld [smem:$0x3FA5]  }
0x30: {  	s3 =	sld [smem:$0x3FA8]  }
0x31: {  	[smem:$0x3FB1] =	sst s10  }
0x32: {  	s10 =	sld [smem:$0x3FAF];
	_ =	sdelay $0x3  }
0x33: {  	p0 =	seq.s32 s10, $0x1;
	s10 =	sld [smem:$0x3FB1];
	_ =	sdelay $0x3  }
0x34: {  	[smem:$0x3FB1] =	sst s10  }
0x35: {  	s10 =	sld [smem:$0x3FB0];
	_ =	sdelay $0x3  }
0x36: {  	p1 =	seq.s32 s10, $0x1;
	s10 =	sld [smem:$0x3FB1];
	_ =	sdelay $0x3  }
0x37: {  	[smem:$0x3FB1] =	sst s10  }
0x38: {  	s10 =	sld [smem:$0x3FB2]  }
0x39: {  	_ = 	snop;
	(pc) =	sbr.ind lr, $3  }
0x3a: {  	_ = 	snop  }
0x3b: {  	_ = 	snop  }
0x3c: {  	p2 =	seq.s32 s10, $0x1;
	s10 =	sld [smem:$0x3FB1]  }
0x3d: {  	_ =	shalt  }
0x3e: {  	_ =	shalt  }
0x3f: {  	_ =	shalt  }
0x40: {  	_ =	shalt  }
0x41: {  	_ =	shalt  }
0x42: {  	_ =	shalt  }
0x43: {  	_ =	shalt  }
0x44: {  	_ =	shalt  }
0x45: {  	_ =	shalt  }
0x46: {  	_ =	shalt  }
0x47: {  	_ =	shalt  }
0x48: {  	_ =	shalt  }
0x49: {  	_ =	shalt  }
0x4a: {  	_ =	shalt  }
0x4b: {  	_ =	shalt  }
0x4c: {  	_ =	shalt  }
0x4d: {  	_ =	shalt  }
0x4e: {  	_ =	shalt  }
0x4f: {  	_ =	shalt  }
0x50: {  	_ =	shalt  }
0x51: {  	_ =	shalt  }
0x52: {  	_ =	shalt  }
0x53: {  	_ =	shalt  }
0x54: {  	_ =	shalt  }
0x55: {  	_ =	shalt  }
0x56: {  	_ =	shalt  }
0x57: {  	_ =	shalt  }
0x58: {  	_ =	shalt  }
0x59: {  	_ =	shalt  }
0x5a: {  	_ =	shalt  }
0x5b: {  	_ =	shalt  }
0x5c: {  	_ =	shalt  }
0x5d: {  	_ =	shalt  }
0x5e: {  	_ =	shalt  }
0x5f: {  	_ =	shalt  }
0x60: {  	_ =	shalt  }
0x61: {  	_ =	shalt  }
0x62: {  	_ =	shalt  }
0x63: {  	_ =	shalt  }
0x64: {  	_ =	shalt  }
0x65: {  	_ =	shalt  }
0x66: {  	_ =	shalt  }
0x67: {  	_ =	shalt  }
0x68: {  	_ =	shalt  }
0x69: {  	_ =	shalt  }
0x6a: {  	_ =	shalt  }
0x6b: {  	_ =	shalt  }
0x6c: {  	_ =	shalt  }
0x6d: {  	_ =	shalt  }
0x6e: {  	_ =	shalt  }
0x6f: {  	_ =	shalt  }
0x70: {  	_ =	shalt  }
0x71: {  	_ =	shalt  }
0x72: {  	_ =	shalt  }
0x73: {  	_ =	shalt  }
0x74: {  	_ =	shalt  }
0x75: {  	_ =	shalt  }
0x76: {  	_ =	shalt  }
0x77: {  	_ =	shalt  }
0x78: {  	_ =	shalt  }
0x79: {  	_ =	shalt  }
0x7a: {  	_ =	shalt  }
0x7b: {  	_ =	shalt  }
0x7c: {  	_ =	shalt  }
0x7d: {  	_ =	shalt  }
0x7e: {  	_ =	shalt  }
0x7f: {  	_ =	shalt  }
0x80: {  	_ =	shalt  }
0x81: {  	_ =	shalt  }
0x82: {  	_ =	shalt  }
0x83: {  	_ =	shalt  }
0x84: {  	_ =	shalt  }
0x85: {  	_ =	shalt  }
0x86: {  	_ =	shalt  }
0x87: {  	_ =	shalt  }
.Lfunc_end0:
.L_simem_size_0:
called_computation_lowered:
.L_overlay_start_0:
0x88: {  	s2 =	sld [smem:$0x3FD9]  }
0x89: {  	s3 =	sld [smem:$0x3FFE];
	_ =	sdelay $0x1  }
0x8a: {  	s1 =	srdreg.scid  }
0x8b: {  	s0 =	sand.u32 $0x1, s1  }
0x8c: {  	s17 =	sshll.u32 s0, $0xA;
	s2 =	sadd.s32 s3, s2  }
0x8d: {  	s2 =	sadd.s32 s2, s17  }
0x8e: {  	[smem:$0x3FBD] =	sst s2  }
0x8f: {  	_ = 	snop  }
0x90: {  	(tm) =	ssettm $0x1  }
0x91: {  	s18 =	sld [smem:$0x3FFB];
	_ =	sdelay $0x3  }
0x92: {  	_ =	strace s18  }
0x93: {  	s2 =	sld [smem:$0x3FFC];
	_ =	sdelay $0x3  }
0x94: {  	_ =	strace s2  }
0x95: {  	s2 =	sld [smem:$0x3FFD];
	_ =	sdelay $0x3  }
0x96: {  	_ =	strace s2  }
0x97: {  	_ =	strace $0x8FFFFFFF  }
0x98: {  	s19 =	sld [smem:$0x3FDB];
	_ =	sdelay $0x1  }
0x99: {  	s20 =	simm.s32 $_scs_section_size  }
0x9a: {  	s4 =	simm.s32 $_size__tile_overlayer_lowered;
	s5 =	simm.s32 $_tile_overlayer_lowered  }
0x9b: {  	s6 =	simm.s32 $0x1BFF;
	s21 =	sshll.u32 s5, $0x1;
	s3 =	sadd.s32 s20, s19  }
0x9c: {  	s22 =	simm.s32 $0x0;
	s4 =	sshll.u32 s4, $0x1;
	s5 =	sadd.s32 s21, s3  }
0x9d: {  	[timem:s22], [sflag:s6] =	dma.local [hbm:s5], s4  }
0x9e: {  	_ =	swait.ge [sflag:s6], s4  }
0x9f: {  	s4 =	ssub.s32 $0x0, s4;
	[sflag:s6] =	ssyncset.done $0x0  }
0xa0: {  	[sflag:s6] =	ssyncadd.s32 s4;
	_ =	sdelay $0x1  }
0xa1: {  	s23 =	simm.s32 $0x1B8B  }
0xa2: {  	_ =	swait.ge [sflag:s23], $0x1  }
0xa3: {  	[sflag:s23] =	ssyncset.done $0x0  }
0xa4: {  	[sflag:s23] =	ssyncadd.s32 $0xFFFFFFFF  }
0xa5: {  	s4 =	sld [smem:$0x0]  }
0xa6: {  	s5 =	sand.u32 $0xFFFFFFFE, s1  }
0xa7: {  	p0 =	sne.s32 s1, s5  }
0xa8: {  	s5 =	sshll.u32 @p0 s5, $0xE  }
0xa9: {  	s5 =	sadd.s32 @p0 $0x11B8D, s5;
	s6 =	sshll.u32 @p0 s4, $0x11  }
0xaa: {  	s5 =	sor.u32 @p0 s6, s5  }
0xab: {  	[sflag:s5] =	ssyncadd.remote.s32 @p0 $0x1;
	_ =	sdelay $0x1  }
0xac: {  	s5 =	simm.s32 @p0 $0x1B8D  }
0xad: {  	_ =	swait.eq @p0 [sflag:s5], $0x1  }
0xae: {  	[sflag:s5] =	ssyncadd.s32 @p0 $0xFFFFFFFF  }
0xaf: {  	s6 =	sshll.u32 @!p0 s1, $0xE  }
0xb0: {  	s6 =	sor.u32 @!p0 $0x4000, s6;
	s5 =	simm.s32 @!p0 $0x1B8D  }
0xb1: {  	s4 =	sshll.u32 @!p0 s4, $0x11;
	s6 =	sadd.s32 @!p0 $0x11B8D, s6;
	_ =	swait.eq @!p0 [sflag:s5], $0x1  }
0xb2: {  	s4 =	sor.u32 @!p0 s4, s6;
	[sflag:s5] =	ssyncadd.s32 @!p0 $0xFFFFFFFF  }
0xb3: {  	s25 =	simm.s32 $0x1B8E;
	s24 =	sld [smem:$0x3FFE];
	[sflag:s4] =	ssyncadd.remote.s32 @!p0 $0x1  }
0xb4: {  	s26 =	simm.s32 $execute0_lowered;
	[smem:$0x3FD2] =	sst s25  }
0xb5: {  	s5 =	sshll.u32 s26, $0x1;
	_ =	strace $0x80000049;
	[dreg:$0x1] =	wrdreg $0xFFFFFFFF  }
0xb6: {  	s28 =	simm.s32 $_size_execute0_lowered;
	s3 =	sadd.s32 s3, s5;
	[dreg:$0x0] =	wrdreg $0x0  }
0xb7: {  	s5 =	sshll.u32 s28, $0x1;
	[dreg:$0x2] =	wrdreg s3  }
0xb8: {  	[dreg:$0x3] =	wrdreg s5  }
0xb9: {  	[dreg:$0x4] =	wrdreg $0xC0  }
0xba: {  	_ =	task [dreg:s22], $0x5FFFF  }
0xbb: {  	[dreg:$0x1] =	wrdreg $0xFFFFFFFF  }
0xbc: {  	[dreg:$0x0] =	wrdreg $0x60  }
0xbd: {  	[dreg:$0x2] =	wrdreg s24  }
0xbe: {  	[dreg:$0x3] =	wrdreg $0x60800  }
0xbf: {  	[dreg:$0x4] =	wrdreg $0x9  }
0xc0: {  	_ =	task.clear_ibuf [dreg:s22], $0x5FFFF;
	_ =	strace $0x90000049  }
0xc1: {  	s29 =	simm.s32 $0x9;
	_ =	strace $0x8000004B  }
0xc2: {  	_ =	swait.ge [sflag:s29], $0x1  }
0xc3: {  	[sflag:s29] =	ssyncadd.s32 $0xFFFFFFFF  }
0xc4: {  	_ =	strace $0x9000004B  }
0xc5: {  	_ =	sfence  }
0xc6: {  	s30 =	sld [smem:$0x0];
	_ =	sdelay $0x2  }
0xc7: {  	s31 =	sshll.u32 s1, $0xD;
	s1 =	sshrl.u32 s1, $0x2  }
0xc8: {  	s4 =	sand.u32 $0x4000, s31;
	s1 =	sadd.s32 s1, s30  }
0xc9: {  	s0 =	sor.u32 s4, s0;
	s1 =	sshll.u32 s1, $0x11  }
0xca: {  	s0 =	sor.u32 s1, s0  }
0xcb: {  	s0 =	sadd.s32 $0x8F2B, s0  }
0xcc: {  	[sflag:s0] =	ssyncadd.remote.s32 $0x1  }
0xcd: {  	_ =	sfence.sel $0xFFFF  }
0xce: {  	[dreg:$0x0] =	wrdreg $0xFFFFFFFF;
	(pc) =	sbr.abs _section_cstart, $3  }
0xcf: {  	[dreg:$0x1] =	wrdreg $0xFFFFFFFF  }
0xd0: {  	_ =	task.clear_ibuf [dreg:s22], $0x2FFFF;
	_ =	strace $0x9FFFFFFF  }
0xd1: {  	(tm) =	ssettm $0x7FFFFFFF  }
tec
execute0_lowered:
.L_overlay_start_1:
0x0: {  	(tag) =	ssettag $0x1  }
0x1: {  	s4 =	rddreg [dreg:$0x0]  }
0x2: {  	s0 =	stileid.u32;
	s1 =	srdreg.scid  }
0x3: {  	s2 =	rddreg [dreg:$0x1];
	s3 =	simm.s32 $0x0;
	s17 =	simm.s32 $0x4080  }
0x4: {  	s18 =	simm.s32 $0x1;
	s19 =	simm.s32 $0x80;
	s5 =	smul.u32 $0x9E0, s0  }
0x5: {  	s10 =	sand.u32 $0x1, s1;
	s6 =	smul.u32 $0x2800, s0;
	s1 =	rddreg [dreg:$0x2]  }
0x6: {  	s20 =	simm.s32 $0x0;
	[smem:$0x7FF] =	sst s3;
	s8 =	smul.u32 $0x50000, s0  }
0x7: {  	s7 =	smul.u32 $0x28000, s10;
	_ =	strace $0x8000004A;
	s30 =	ssub.s32 $0x2, s10  }
0x8: {  	s16 =	smul.u32 $0x4F0, s10;
	s15 =	sadd.s32 s5, s4;
	s31 =	sshrl.u32 s30, $0x1  }
0x9: {  	s8 =	sshrl.u32 s8, $0x2;
	s6 =	sadd.s32 s6, s7;
	s7 =	ssub.s32 s30, s31  }
0xa: {  	s16 =	sadd.s32 s16, s15;
	s6 =	sadd.s32 s6, s4;
	s4 =	sadd.s32 s8, s2  }
0xb: {  	s16 =	sadd.s32 $0x3000, s16;
	s5 =	sadd.s32 $0x84000, s6;
	s6 =	smax.u32 s7, $0x1  }
0xc: {  	s7 =	sadd.s32 $0x2000, s4;
	s8 =	sadd.s32 $0x4000, s4;
	s9 =	sadd.s32 $0x6000, s4  }
0xd: {  	s10 =	sadd.s32 $0x8000, s4;
	s11 =	sadd.s32 $0xA000, s4;
	s12 =	sadd.s32 $0xC000, s4  }
0xe: {  	v0 =	vimm.f32 $0.0e+00;
	v1 =	vimm.f32 $1.000000000e+00;
	s13 =	sadd.s32 $0xE000, s4;
	s14 =	sadd.s32 $0x10000, s4;
	s15 =	sadd.s32 $0x12000, s4  }
.LBB2_1:
0xf: {  	s21 =	simm.s32 $0x0;
	s22 =	simm.s32 $0x200  }
.LBB2_2:
0x10: {  	p0 =	sne.s32 s22, $0x7E00;
	[tilespmem:s21+$0x40F0] =	vst v0  }
0x11: {  	[tilespmem:s21+$0x4080] =	vst v0  }
0x12: {  	[tilespmem:s21+$0x4090] =	vst v0  }
.Ltmp0:
0x13: {  	[tilespmem:s21+$0x40A0] =	vst v0;
	(pc) =	sbr.rel @p0 .LBB2_2-.Ltmp0, $4  }
0x14: {  	[tilespmem:s21+$0x40B0] =	vst v0  }
0x15: {  	[tilespmem:s21+$0x40C0] =	vst v0  }
0x16: {  	[tilespmem:s21+$0x40D0] =	vst v0  }
0x17: {  	[tilespmem:s21+$0x40E0] =	vst v0;
	s21 =	sshra.s32 s22, $0x2;
	s22 =	sadd.s32 $0x200, s22  }
0x18: {  	[tilespmem:s21+$0x40F0] =	vst v0  }
0x19: {  	[tilespmem:s21+$0x4080] =	vst v0  }
0x1a: {  	[tilespmem:s21+$0x4090] =	vst v0  }
0x1b: {  	[tilespmem:s21+$0x40A0] =	vst v0  }
0x1c: {  	[tilespmem:s21+$0x40B0] =	vst v0  }
0x1d: {  	[tilespmem:s21+$0x40C0] =	vst v0  }
0x1e: {  	[tilespmem:s21+$0x40D0] =	vst v0  }
0x1f: {  	[tilespmem:s21+$0x40E0] =	vst v0;
	s21 =	simm.s32 $0x0;
	s22 =	simm.s32 $0x200  }
.LBB2_4:
0x20: {  	p0 =	sne.s32 s22, $0xFE00;
	[tilespmem:s21+$0xF0] =	vst v1  }
0x21: {  	[tilespmem:s21+$0x80] =	vst v1  }
0x22: {  	[tilespmem:s21+$0x90] =	vst v1  }
.Ltmp1:
0x23: {  	[tilespmem:s21+$0xA0] =	vst v1;
	(pc) =	sbr.rel @p0 .LBB2_4-.Ltmp1, $4  }
0x24: {  	[tilespmem:s21+$0xB0] =	vst v1  }
0x25: {  	[tilespmem:s21+$0xC0] =	vst v1  }
0x26: {  	[tilespmem:s21+$0xD0] =	vst v1  }
0x27: {  	[tilespmem:s21+$0xE0] =	vst v1;
	s21 =	sshra.s32 s22, $0x2;
	s22 =	sadd.s32 $0x200, s22  }
0x28: {  	[tilespmem:s21+$0xF0] =	vst v1  }
0x29: {  	[tilespmem:s21+$0x80] =	vst v1  }
0x2a: {  	[tilespmem:s21+$0x90] =	vst v1  }
0x2b: {  	[tilespmem:s21+$0xA0] =	vst v1  }
0x2c: {  	[tilespmem:s21+$0xB0] =	vst v1  }
0x2d: {  	[tilespmem:s21+$0xC0] =	vst v1  }
0x2e: {  	[tilespmem:s21+$0xD0] =	vst v1  }
0x2f: {  	[tilespmem:s21+$0xE0] =	vst v1  }
0x30: {  	[spmem:s4] =	stream.linear.scatter [tilespmem:s17], [sflag:$0x1], $0x2000, $0x38;
	[tilespmem:$0x1A080] =	vst v63  }
0x31: {  	_ =	swait.ge [sflag:s18], $0x2000  }
0x32: {  	[sflag:s18] =	ssyncset.done $0x0  }
0x33: {  	[sflag:s18] =	ssyncadd.s32 $0xFFFFE000  }
0x34: {  	[spmem:s7] =	stream.linear.scatter [tilespmem:s17], [sflag:$0x1], $0x2000, $0x38;
	[tilespmem:$0x1A080] =	vst v63  }
0x35: {  	_ =	swait.ge [sflag:s18], $0x2000  }
0x36: {  	[sflag:s18] =	ssyncset.done $0x0  }
0x37: {  	[sflag:s18] =	ssyncadd.s32 $0xFFFFE000  }
0x38: {  	[spmem:s8] =	stream.linear.scatter [tilespmem:s17], [sflag:$0x1], $0x2000, $0x38;
	[tilespmem:$0x1A080] =	vst v63  }
0x39: {  	_ =	swait.ge [sflag:s18], $0x2000  }
0x3a: {  	[sflag:s18] =	ssyncset.done $0x0  }
0x3b: {  	[sflag:s18] =	ssyncadd.s32 $0xFFFFE000  }
0x3c: {  	[spmem:s9] =	stream.linear.scatter [tilespmem:s17], [sflag:$0x1], $0x2000, $0x38;
	[tilespmem:$0x1A080] =	vst v63  }
0x3d: {  	_ =	swait.ge [sflag:s18], $0x2000  }
0x3e: {  	[sflag:s18] =	ssyncset.done $0x0  }
0x3f: {  	[sflag:s18] =	ssyncadd.s32 $0xFFFFE000  }
0x40: {  	[spmem:s10] =	stream.linear.scatter [tilespmem:s17], [sflag:$0x1], $0x2000, $0x38;
	[tilespmem:$0x1A080] =	vst v63  }
0x41: {  	_ =	swait.ge [sflag:s18], $0x2000  }
0x42: {  	[sflag:s18] =	ssyncset.done $0x0  }
0x43: {  	[sflag:s18] =	ssyncadd.s32 $0xFFFFE000  }
0x44: {  	[spmem:s11] =	stream.linear.scatter [tilespmem:s17], [sflag:$0x1], $0x2000, $0x38;
	[tilespmem:$0x1A080] =	vst v63  }
0x45: {  	_ =	swait.ge [sflag:s18], $0x2000  }
0x46: {  	[sflag:s18] =	ssyncset.done $0x0  }
0x47: {  	[sflag:s18] =	ssyncadd.s32 $0xFFFFE000  }
0x48: {  	[spmem:s12] =	stream.linear.scatter [tilespmem:s17], [sflag:$0x1], $0x2000, $0x38;
	[tilespmem:$0x1A080] =	vst v63  }
0x49: {  	_ =	swait.ge [sflag:s18], $0x2000  }
0x4a: {  	[sflag:s18] =	ssyncset.done $0x0  }
0x4b: {  	[sflag:s18] =	ssyncadd.s32 $0xFFFFE000  }
0x4c: {  	[spmem:s13] =	stream.linear.scatter [tilespmem:s17], [sflag:$0x1], $0x2000, $0x38;
	[tilespmem:$0x1A080] =	vst v63  }
0x4d: {  	_ =	swait.ge [sflag:s18], $0x2000  }
0x4e: {  	[sflag:s18] =	ssyncset.done $0x0  }
0x4f: {  	[sflag:s18] =	ssyncadd.s32 $0xFFFFE000  }
0x50: {  	[spmem:s14] =	stream.linear.scatter [tilespmem:s17], [sflag:$0x1], $0x2000, $0x38;
	[tilespmem:$0x1A080] =	vst v63  }
0x51: {  	_ =	swait.ge [sflag:s18], $0x2000  }
0x52: {  	[sflag:s18] =	ssyncset.done $0x0  }
0x53: {  	[sflag:s18] =	ssyncadd.s32 $0xFFFFE000  }
0x54: {  	[spmem:s15] =	stream.linear.scatter [tilespmem:s17], [sflag:$0x1], $0x2000, $0x38;
	[tilespmem:$0x1A080] =	vst v63  }
0x55: {  	_ =	swait.ge [sflag:s18], $0x2000  }
0x56: {  	[sflag:s18] =	ssyncset.done $0x0  }
0x57: {  	[sflag:s18] =	ssyncadd.s32 $0xFFFFE000  }
0x58: {  	s31 =	sadd.s32 $0x0, s16;
	[bflag:$0x0] =	sbarrier.arrive $0xFFFF  }
0x59: {  	[tilespmem:s3], [sflag:$0x1] =	stream.linear.gather [hbm4b:s31+s3], $0x80, $0x38;
	[tilespmem:$0x1A080] =	vst v63  }
0x5a: {  	_ =	swait.ge [sflag:s18], $0x80  }
0x5b: {  	[sflag:s18] =	ssyncset.done $0x0  }
0x5c: {  	[sflag:s18] =	ssyncadd.s32 $0xFFFFFF80  }
0x5d: {  	[spmem:s2] =	stream.indirect.scatter.add.f32 [tilespmem:s19], [sflag:$0x1], $0x80, s3, s19, $0xb8;
	[tilespmem:$0x1A080] =	vst v63  }
0x5e: {  	_ =	swait.ge [sflag:s18], $0x4000  }
0x5f: {  	s21 =	simm.s32 $0x10;
	s22 =	simm.s32 $0x20;
	[sflag:s18] =	ssyncset.done $0x0  }
.LBB2_6:
0x60: {  	s23 =	sadd.s32 s21, s16  }
0x61: {  	[sflag:s18] =	ssyncadd.s32 $0xFFFFC000;
	s21 =	smov.u32 s22;
	s24 =	sadd.s32 $0x10, s22  }
0x62: {  	[tilespmem:s3], [sflag:$0x1] =	stream.linear.gather [hbm4b:s23+s3], $0x80, $0x38;
	[tilespmem:$0x1A080] =	vst v63  }
0x63: {  	p0 =	sne.s32 s22, $0x4E0;
	_ =	swait.ge [sflag:s18], $0x80  }
.Ltmp2:
0x64: {  	[sflag:s18] =	ssyncset.done $0x0;
	(pc) =	sbr.rel @p0 .LBB2_6-.Ltmp2, $4  }
0x65: {  	[sflag:s18] =	ssyncadd.s32 $0xFFFFFF80  }
0x66: {  	[spmem:s2] =	stream.indirect.scatter.add.f32 [tilespmem:s19], [sflag:$0x1], $0x80, s3, s19, $0xb8;
	[tilespmem:$0x1A080] =	vst v63  }
0x67: {  	_ =	swait.ge [sflag:s18], $0x4000  }
0x68: {  	s22 =	smov.u32 s24;
	[sflag:s18] =	ssyncset.done $0x0  }
0x69: {  	s21 =	sadd.s32 s21, s16;
	[sflag:s18] =	ssyncadd.s32 $0xFFFFC000  }
0x6a: {  	[tilespmem:s3], [sflag:$0x1] =	stream.linear.gather [hbm4b:s21+s3], $0x80, $0x38;
	[tilespmem:$0x1A080] =	vst v63  }
0x6b: {  	_ =	swait.ge [sflag:s18], $0x80  }
0x6c: {  	[sflag:s18] =	ssyncset.done $0x0  }
0x6d: {  	[sflag:s18] =	ssyncadd.s32 $0xFFFFFF80  }
0x6e: {  	[spmem:s2] =	stream.indirect.scatter.add.f32 [tilespmem:s19], [sflag:$0x1], $0x80, s3, s19, $0xb8;
	[tilespmem:$0x1A080] =	vst v63  }
0x6f: {  	_ =	swait.ge [sflag:s18], $0x4000  }
0x70: {  	s31 =	sshll.u32 s0, $0x6;
	s20 =	sadd.s32 $0x1, s20;
	[sflag:s18] =	ssyncset.done $0x0  }
0x71: {  	s22 =	sshrl.u32 s4, $0x3;
	p0 =	sne.s32 s20, s6;
	[sflag:s18] =	ssyncadd.s32 $0xFFFFC000  }
.Ltmp3:
0x72: {  	s21 =	sor.u32 $0x1C01, s31;
	[bflag:$0x0] =	sbarrier.arrive $0xFFFF;
	(pc) =	sbr.rel @p0 .LBB2_1-.Ltmp3, $4  }
0x73: {  	[hbm:s5], [sflag:s21] =	dma.local [spmem:s22], $0x2800  }
0x74: {  	_ =	swait.ge [sflag:s18], $0x2800  }
0x75: {  	[sflag:s18] =	ssyncset.done $0x0  }
0x76: {  	[sflag:s18] =	ssyncadd.s32 $0xFFFFD800  }
0x77: {  	_ =	sfence.sel $0x180000  }
0x78: {  	[bflag:$0x0] =	sbarrier.arrive $0xFFFF  }
0x79: {  	p0 =	sne.s32 s0, $0x0;
	_ =	strace $0x9000004A  }
0x7a: {  	s0 =	sadd.s32 @!p0 $0x100000, s1;
	[bflag:$0x2] =	sbarrier.arrive $0xFFFF  }
0x7b: {  	[sflag:s0] =	ssyncadd.tile.s32 @!p0 $0x1;
	_ =	shalt  }
.Lfunc_end2:
_tile_overlayer_lowered:
.L_overlay_start_2:
0x7c: {  	(tag) =	ssettag $0x2  }
0x7d: {  	s0 =	rddreg [dreg:$0x0];
	s2 =	stileid.u32  }
0x7e: {  	s1 =	rddreg [dreg:$0x1];
	p0 =	sne.s32 s2, $0x0  }
0x7f: {  	s3 =	rddreg [dreg:$0x2];
	[bflag:$0x3] =	sbarrier.arrive $0xFFFF;
	s2 =	simm.s32 @!p0 $0x1C01  }
0x80: {  	[timem:s3], [sflag:s2] =	dma.local @!p0 [hbm:s0], s1  }
0x81: {  	s0 =	simm.s32 @!p0 $0x1  }
0x82: {  	_ =	swait.ge @!p0 [sflag:s0], s1  }
0x83: {  	s1 =	ssub.s32 @!p0 $0x0, s1;
	[sflag:s0] =	ssyncset.done @!p0 $0x0  }
0x84: {  	[sflag:s0] =	ssyncadd.s32 @!p0 s1  }
0x85: {  	[bflag:$0x3] =	sbarrier.arrive $0xFFFF  }
0x86: {  	_ =	shalt  }

// kernel: kernel.13.cloned.1.call-start
scs
__scs_entry_jumppad:
0x0: {  	(pc) =	sbr.rel $0x88, $3  }
0x1: {  	(tag) =	ssettag $0x0;
	lr =	simm.s32 $0x1  }
0x2: {  	[smem:$0x3F96] =	sst lr;
	_ =	strace $0xD0000000  }
0x3: {  	_ = 	snop  }
0x4: {  	_ = 	snop  }
0x5: {  	_ = 	snop  }
0x6: {  	_ = 	snop  }
0x7: {  	_ = 	snop  }
__scs_overlays_trampoline_lowered:
0x8: {  	[smem:$0x3FA5] =	sst s0  }
0x9: {  	[smem:$0x3FA6] =	sst s1  }
0xa: {  	[smem:$0x3FA7] =	sst s2  }
0xb: {  	[smem:$0x3FA8] =	sst s3  }
0xc: {  	[smem:$0x3FA9] =	sst s4  }
0xd: {  	[smem:$0x3FAA] =	sst s5  }
0xe: {  	[smem:$0x3FAB] =	sst s6  }
0xf: {  	[smem:$0x3FAC] =	sst s7  }
0x10: {  	[smem:$0x3FAD] =	sst s8  }
0x11: {  	[smem:$0x3FAE] =	sst s9;
	s0 =	simm.s32 @!p0 $0x0  }
0x12: {  	s1 =	sld [smem:$0x3F94];
	s0 =	simm.s32 @p0 $0x1  }
0x13: {  	[smem:$0x3FAF] =	sst s0;
	s0 =	simm.s32 @!p1 $0x0  }
0x14: {  	s2 =	sld [smem:$0x3F93];
	s0 =	simm.s32 @p1 $0x1  }
0x15: {  	[smem:$0x3FB0] =	sst s0;
	s0 =	simm.s32 @!p2 $0x0  }
0x16: {  	s3 =	sld [smem:$0x3FDB];
	s0 =	simm.s32 @p2 $0x1  }
0x17: {  	s4 =	simm.s32 $0x1BF5;
	[smem:$0x3FB2] =	sst s0  }
0x18: {  	s0 =	sld [smem:$0x3F95];
	_ =	swait.ge [sflag:s4], $0x0  }
0x19: {  	s7 =	sld [smem:$0x3F96]  }
0x1a: {  	s8 =	sadd.s32 $0xFFFFE003, lr  }
0x1b: {  	s9 =	sadd.s32 $0xFFFFFEF7, lr;
	s5 =	simm.s32 $0xFFFFFFFF;
	p2 =	slt.u32 s8, $0xFFFFF086  }
0x1c: {  	p1 =	slt.u32 s9, $0xF7A;
	s5 =	simm.s32 @!p2 $0x0  }
0x1d: {  	s5 =	simm.s32 @p1 $0x1;
	p0 =	seq.s32 s7, s2  }
0x1e: {  	s7 =	smul.u32 @!p0 $0xF7A, s2;
	p2 =	seq.s32 @!p0 s5, $0x0  }
0x1f: {  	s9 =	smul.u32 $0xF7A, s1;
	s8 =	simm.s32 @!p0 $0x1BF5;
	p2 =	por !p2, p0  }
0x20: {  	[sflag:s8] =	ssyncset.s32 @!p0 $0xFFFFF086;
	s6 =	sadd.s32 @!p0 s3, s7;
	s7 =	simm.s32 @!p0 $0x108  }
0x21: {  	s3 =	sadd.s32 s3, s9;
	s6 =	sadd.s32 @!p0 $0x88, s6;
	s7 =	simm.s32 @p2 $0x1082  }
0x22: {  	[simem:s7], [sflag:s8] =	dma.local @!p0 [hbm:s6], $0xF7A  }
0x23: {  	s9 =	sor.u32 $0xD0000000, s2;
	s6 =	simm.s32 $0x108;
	_ =	swait.ge @!p0 [sflag:s8], $0x0  }
0x24: {  	s3 =	sadd.s32 $0x88, s3;
	s6 =	simm.s32 @!p1 $0x1082;
	[sflag:s4] =	ssyncset.s32 $0xFFFFF086  }
0x25: {  	[simem:s6], [sflag:s4] =	dma.local [hbm:s3], $0xF7A  }
0x26: {  	[smem:$0x3F96] =	sst s1;
	(tag) =	ssettag s2;
	_ =	strace s9  }
0x27: {  	s1 =	sld [smem:$0x3FA6]  }
0x28: {  	s2 =	sld [smem:$0x3FA7]  }
0x29: {  	s4 =	sld [smem:$0x3FA9]  }
0x2a: {  	p0 =	seq.s32 s5, $0x0;
	s5 =	sld [smem:$0x3FAA]  }
0x2b: {  	s6 =	sld [smem:$0x3FAB]  }
0x2c: {  	s7 =	sld [smem:$0x3FAC]  }
0x2d: {  	s3 =	simm.s32 $0x108;
	s8 =	sld [smem:$0x3FAD]  }
0x2e: {  	s3 =	simm.s32 @!p0 $0x1082;
	s9 =	sld [smem:$0x3FAE]  }
0x2f: {  	lr =	sadd.s32 s0, s3;
	s0 =	sld [smem:$0x3FA5]  }
0x30: {  	s3 =	sld [smem:$0x3FA8]  }
0x31: {  	[smem:$0x3FB1] =	sst s10  }
0x32: {  	s10 =	sld [smem:$0x3FAF];
	_ =	sdelay $0x3  }
0x33: {  	p0 =	seq.s32 s10, $0x1;
	s10 =	sld [smem:$0x3FB1];
	_ =	sdelay $0x3  }
0x34: {  	[smem:$0x3FB1] =	sst s10  }
0x35: {  	s10 =	sld [smem:$0x3FB0];
	_ =	sdelay $0x3  }
0x36: {  	p1 =	seq.s32 s10, $0x1;
	s10 =	sld [smem:$0x3FB1];
	_ =	sdelay $0x3  }
0x37: {  	[smem:$0x3FB1] =	sst s10  }
0x38: {  	s10 =	sld [smem:$0x3FB2]  }
0x39: {  	_ = 	snop;
	(pc) =	sbr.ind lr, $3  }
0x3a: {  	_ = 	snop  }
0x3b: {  	_ = 	snop  }
0x3c: {  	p2 =	seq.s32 s10, $0x1;
	s10 =	sld [smem:$0x3FB1]  }
0x3d: {  	_ =	shalt  }
0x3e: {  	_ =	shalt  }
0x3f: {  	_ =	shalt  }
0x40: {  	_ =	shalt  }
0x41: {  	_ =	shalt  }
0x42: {  	_ =	shalt  }
0x43: {  	_ =	shalt  }
0x44: {  	_ =	shalt  }
0x45: {  	_ =	shalt  }
0x46: {  	_ =	shalt  }
0x47: {  	_ =	shalt  }
0x48: {  	_ =	shalt  }
0x49: {  	_ =	shalt  }
0x4a: {  	_ =	shalt  }
0x4b: {  	_ =	shalt  }
0x4c: {  	_ =	shalt  }
0x4d: {  	_ =	shalt  }
0x4e: {  	_ =	shalt  }
0x4f: {  	_ =	shalt  }
0x50: {  	_ =	shalt  }
0x51: {  	_ =	shalt  }
0x52: {  	_ =	shalt  }
0x53: {  	_ =	shalt  }
0x54: {  	_ =	shalt  }
0x55: {  	_ =	shalt  }
0x56: {  	_ =	shalt  }
0x57: {  	_ =	shalt  }
0x58: {  	_ =	shalt  }
0x59: {  	_ =	shalt  }
0x5a: {  	_ =	shalt  }
0x5b: {  	_ =	shalt  }
0x5c: {  	_ =	shalt  }
0x5d: {  	_ =	shalt  }
0x5e: {  	_ =	shalt  }
0x5f: {  	_ =	shalt  }
0x60: {  	_ =	shalt  }
0x61: {  	_ =	shalt  }
0x62: {  	_ =	shalt  }
0x63: {  	_ =	shalt  }
0x64: {  	_ =	shalt  }
0x65: {  	_ =	shalt  }
0x66: {  	_ =	shalt  }
0x67: {  	_ =	shalt  }
0x68: {  	_ =	shalt  }
0x69: {  	_ =	shalt  }
0x6a: {  	_ =	shalt  }
0x6b: {  	_ =	shalt  }
0x6c: {  	_ =	shalt  }
0x6d: {  	_ =	shalt  }
0x6e: {  	_ =	shalt  }
0x6f: {  	_ =	shalt  }
0x70: {  	_ =	shalt  }
0x71: {  	_ =	shalt  }
0x72: {  	_ =	shalt  }
0x73: {  	_ =	shalt  }
0x74: {  	_ =	shalt  }
0x75: {  	_ =	shalt  }
0x76: {  	_ =	shalt  }
0x77: {  	_ =	shalt  }
0x78: {  	_ =	shalt  }
0x79: {  	_ =	shalt  }
0x7a: {  	_ =	shalt  }
0x7b: {  	_ =	shalt  }
0x7c: {  	_ =	shalt  }
0x7d: {  	_ =	shalt  }
0x7e: {  	_ =	shalt  }
0x7f: {  	_ =	shalt  }
0x80: {  	_ =	shalt  }
0x81: {  	_ =	shalt  }
0x82: {  	_ =	shalt  }
0x83: {  	_ =	shalt  }
0x84: {  	_ =	shalt  }
0x85: {  	_ =	shalt  }
0x86: {  	_ =	shalt  }
0x87: {  	_ =	shalt  }
.Lfunc_end0:
.L_simem_size_0:
called_computation.1_lowered:
.L_overlay_start_0:
0x88: {  	s2 =	sld [smem:$0x3FD9]  }
0x89: {  	s3 =	sld [smem:$0x3FFE];
	_ =	sdelay $0x1  }
0x8a: {  	s1 =	srdreg.scid  }
0x8b: {  	s0 =	sand.u32 $0x1, s1  }
0x8c: {  	s17 =	sshll.u32 s0, $0xA;
	s2 =	sadd.s32 s3, s2  }
0x8d: {  	s2 =	sadd.s32 s2, s17  }
0x8e: {  	[smem:$0x3FBD] =	sst s2  }
0x8f: {  	_ = 	snop  }
0x90: {  	s2 =	sld [smem:$0x3FD0];
	(tm) =	ssettm $0x1  }
0x91: {  	s18 =	sld [smem:$0x3FFB];
	_ =	sdelay $0x3  }
0x92: {  	_ =	strace s18  }
0x93: {  	s3 =	sld [smem:$0x3FFC];
	_ =	sdelay $0x3  }
0x94: {  	_ =	strace s3  }
0x95: {  	s3 =	sld [smem:$0x3FFD];
	_ =	sdelay $0x3  }
0x96: {  	_ =	strace s3  }
0x97: {  	_ =	strace $0x8FFFFFFF  }
0x98: {  	s19 =	sld [smem:$0x3FDB];
	_ =	sdelay $0x1  }
0x99: {  	s4 =	simm.s32 $_scs_section_size  }
0x9a: {  	s5 =	simm.s32 $_size__tile_overlayer_lowered;
	s6 =	simm.s32 $_tile_overlayer_lowered  }
0x9b: {  	s22 =	simm.s32 $0x1BFF;
	s21 =	sshll.u32 s6, $0x1;
	s3 =	sadd.s32 s4, s19  }
0x9c: {  	s7 =	simm.s32 $0x0;
	s20 =	sshll.u32 s5, $0x1;
	s5 =	sadd.s32 s21, s3  }
0x9d: {  	[timem:s7], [sflag:s22] =	dma.local [hbm:s5], s20  }
0x9e: {  	_ =	swait.ge [sflag:s22], s20  }
0x9f: {  	s4 =	ssub.s32 $0x0, s20;
	[sflag:s22] =	ssyncset.done $0x0  }
0xa0: {  	[sflag:s22] =	ssyncadd.s32 s4;
	_ =	sdelay $0x1  }
0xa1: {  	s23 =	simm.s32 $0x1B8B  }
0xa2: {  	_ =	swait.ge [sflag:s23], $0x1  }
0xa3: {  	[sflag:s23] =	ssyncset.done $0x0  }
0xa4: {  	s25 =	simm.s32 $0x1B8E;
	s24 =	sld [smem:$0x3FFE];
	[sflag:s23] =	ssyncadd.s32 $0xFFFFFFFF  }
0xa5: {  	s26 =	simm.s32 $execute0_lowered;
	[smem:$0x3FD2] =	sst s25  }
0xa6: {  	s5 =	sshll.u32 s26, $0x1;
	_ =	strace $0x80000046;
	[dreg:$0x1] =	wrdreg $0xFFFFFFFF  }
0xa7: {  	s28 =	simm.s32 $_size_execute0_lowered;
	s3 =	sadd.s32 s3, s5;
	[dreg:$0x0] =	wrdreg $0x0  }
0xa8: {  	s5 =	sshll.u32 s28, $0x1;
	[dreg:$0x2] =	wrdreg s3  }
0xa9: {  	[dreg:$0x3] =	wrdreg s5  }
0xaa: {  	[dreg:$0x4] =	wrdreg $0xC0  }
0xab: {  	_ =	task [dreg:s7], $0x5FFFF  }
0xac: {  	[dreg:$0x1] =	wrdreg $0xFFFFFFFF  }
0xad: {  	[dreg:$0x0] =	wrdreg $0x60  }
0xae: {  	[dreg:$0x2] =	wrdreg s2  }
0xaf: {  	[dreg:$0x3] =	wrdreg s24  }
0xb0: {  	[dreg:$0x4] =	wrdreg $0x61000  }
0xb1: {  	[dreg:$0x5] =	wrdreg $0xA  }
0xb2: {  	_ =	task.clear_ibuf [dreg:s7], $0x6FFFF;
	_ =	strace $0x90000046  }
0xb3: {  	s29 =	simm.s32 $0xA;
	_ =	strace $0x80000048  }
0xb4: {  	_ =	swait.ge [sflag:s29], $0x1  }
0xb5: {  	[sflag:s29] =	ssyncadd.s32 $0xFFFFFFFF  }
0xb6: {  	_ =	strace $0x90000048  }
0xb7: {  	_ =	sfence  }
0xb8: {  	s30 =	sld [smem:$0x0];
	_ =	sdelay $0x2  }
0xb9: {  	s31 =	sshll.u32 s1, $0xD;
	s1 =	sshrl.u32 s1, $0x2  }
0xba: {  	s3 =	sand.u32 $0x4000, s31;
	s1 =	sadd.s32 s1, s30  }
0xbb: {  	s0 =	sor.u32 s3, s0;
	s1 =	sshll.u32 s1, $0x11  }
0xbc: {  	s0 =	sor.u32 s1, s0  }
0xbd: {  	s0 =	sadd.s32 $0x8F2B, s0  }
0xbe: {  	[sflag:s0] =	ssyncadd.remote.s32 $0x1  }
0xbf: {  	_ =	sfence.sel $0xFFFF  }
0xc0: {  	[dreg:$0x0] =	wrdreg $0xFFFFFFFF;
	(pc) =	sbr.abs _section_cstart, $3  }
0xc1: {  	[dreg:$0x1] =	wrdreg $0xFFFFFFFF  }
0xc2: {  	_ =	task.clear_ibuf [dreg:s7], $0x2FFFF;
	_ =	strace $0x9FFFFFFF  }
0xc3: {  	(tm) =	ssettm $0x7FFFFFFF  }
tec
execute0_lowered:
.L_overlay_start_1:
0x0: {  	(tag) =	ssettag $0x1  }
0x1: {  	s16 =	rddreg [dreg:$0x0]  }
0x2: {  	s5 =	rddreg [dreg:$0x1]  }
0x3: {  	s2 =	rddreg [dreg:$0x2]  }
0x4: {  	s0 =	rddreg [dreg:$0x3]  }
0x5: {  	s1 =	stileid.u32;
	s4 =	srdreg.scid  }
0x6: {  	s3 =	simm.s32 $0x0;
	s21 =	simm.s32 $0x80;
	s17 =	smul.u32 $0x9E0, s1  }
0x7: {  	s22 =	simm.s32 $0x100;
	s23 =	simm.s32 $0x1;
	s6 =	smul.u32 $0x2800, s1  }
0x8: {  	s24 =	simm.s32 $0x0;
	s12 =	sand.u32 $0x1, s4;
	s8 =	smul.u32 $0x50000, s1  }
0x9: {  	[smem:$0x7FF] =	sst s3;
	s4 =	sadd.s32 $0xCE00, s5;
	s7 =	smul.u32 $0x28000, s12  }
0xa: {  	_ =	strace $0x80000047;
	s30 =	ssub.s32 $0x2, s12;
	s19 =	smul.u32 $0x4F0, s12  }
0xb: {  	s18 =	sadd.s32 s17, s5;
	s31 =	sshrl.u32 s30, $0x1;
	s8 =	sshrl.u32 s8, $0x2  }
0xc: {  	s20 =	sadd.s32 s17, s16;
	s6 =	sadd.s32 s6, s7;
	s7 =	ssub.s32 s30, s31  }
0xd: {  	s18 =	sadd.s32 s19, s18;
	s6 =	sadd.s32 s6, s5;
	s5 =	sadd.s32 s8, s2  }
0xe: {  	s7 =	smax.u32 s7, $0x1;
	s17 =	sadd.s32 $0x3000, s18;
	s18 =	sadd.s32 s19, s20  }
0xf: {  	s19 =	simm.s32 $0x4100;
	s20 =	simm.s32 $0x2;
	s6 =	sadd.s32 $0x34000, s6  }
0x10: {  	s8 =	sadd.s32 $0x2000, s5;
	s9 =	sadd.s32 $0x4000, s5;
	s10 =	sadd.s32 $0x6000, s5  }
0x11: {  	s11 =	sadd.s32 $0x8000, s5;
	s12 =	sadd.s32 $0xA000, s5;
	s13 =	sadd.s32 $0xC000, s5  }
0x12: {  	v0 =	vimm.f32 $0.0e+00;
	s14 =	sadd.s32 $0xE000, s5;
	s15 =	sadd.s32 $0x10000, s5;
	s16 =	sadd.s32 $0x12000, s5  }
.LBB2_1:
0x13: {  	s25 =	simm.s32 $0x0;
	s26 =	simm.s32 $0x200  }
.LBB2_2:
0x14: {  	p0 =	sne.s32 s26, $0x7E00;
	[tilespmem:s25+$0x4170] =	vst v0  }
0x15: {  	[tilespmem:s25+$0x4100] =	vst v0  }
0x16: {  	[tilespmem:s25+$0x4110] =	vst v0  }
.Ltmp0:
0x17: {  	[tilespmem:s25+$0x4120] =	vst v0;
	(pc) =	sbr.rel @p0 .LBB2_2-.Ltmp0, $4  }
0x18: {  	[tilespmem:s25+$0x4130] =	vst v0  }
0x19: {  	[tilespmem:s25+$0x4140] =	vst v0  }
0x1a: {  	[tilespmem:s25+$0x4150] =	vst v0  }
0x1b: {  	[tilespmem:s25+$0x4160] =	vst v0;
	s25 =	sshra.s32 s26, $0x2;
	s26 =	sadd.s32 $0x200, s26  }
0x1c: {  	[tilespmem:s25+$0x4170] =	vst v0  }
0x1d: {  	[tilespmem:s25+$0x4100] =	vst v0  }
0x1e: {  	[tilespmem:s25+$0x4110] =	vst v0  }
0x1f: {  	[tilespmem:s25+$0x4120] =	vst v0  }
0x20: {  	[tilespmem:s25+$0x4130] =	vst v0  }
0x21: {  	[tilespmem:s25+$0x4140] =	vst v0  }
0x22: {  	[tilespmem:s25+$0x4150] =	vst v0  }
0x23: {  	[tilespmem:s25+$0x4160] =	vst v0  }
0x24: {  	[spmem:s5] =	stream.linear.scatter [tilespmem:s19], [sflag:$0x2], $0x2000, $0x38;
	[tilespmem:$0x1A100] =	vst v63  }
0x25: {  	_ =	swait.ge [sflag:s20], $0x2000  }
0x26: {  	[sflag:s20] =	ssyncset.done $0x0  }
0x27: {  	[sflag:s20] =	ssyncadd.s32 $0xFFFFE000  }
0x28: {  	[spmem:s8] =	stream.linear.scatter [tilespmem:s19], [sflag:$0x2], $0x2000, $0x38;
	[tilespmem:$0x1A100] =	vst v63  }
0x29: {  	_ =	swait.ge [sflag:s20], $0x2000  }
0x2a: {  	[sflag:s20] =	ssyncset.done $0x0  }
0x2b: {  	[sflag:s20] =	ssyncadd.s32 $0xFFFFE000  }
0x2c: {  	[spmem:s9] =	stream.linear.scatter [tilespmem:s19], [sflag:$0x2], $0x2000, $0x38;
	[tilespmem:$0x1A100] =	vst v63  }
0x2d: {  	_ =	swait.ge [sflag:s20], $0x2000  }
0x2e: {  	[sflag:s20] =	ssyncset.done $0x0  }
0x2f: {  	[sflag:s20] =	ssyncadd.s32 $0xFFFFE000  }
0x30: {  	[spmem:s10] =	stream.linear.scatter [tilespmem:s19], [sflag:$0x2], $0x2000, $0x38;
	[tilespmem:$0x1A100] =	vst v63  }
0x31: {  	_ =	swait.ge [sflag:s20], $0x2000  }
0x32: {  	[sflag:s20] =	ssyncset.done $0x0  }
0x33: {  	[sflag:s20] =	ssyncadd.s32 $0xFFFFE000  }
0x34: {  	[spmem:s11] =	stream.linear.scatter [tilespmem:s19], [sflag:$0x2], $0x2000, $0x38;
	[tilespmem:$0x1A100] =	vst v63  }
0x35: {  	_ =	swait.ge [sflag:s20], $0x2000  }
0x36: {  	[sflag:s20] =	ssyncset.done $0x0  }
0x37: {  	[sflag:s20] =	ssyncadd.s32 $0xFFFFE000  }
0x38: {  	[spmem:s12] =	stream.linear.scatter [tilespmem:s19], [sflag:$0x2], $0x2000, $0x38;
	[tilespmem:$0x1A100] =	vst v63  }
0x39: {  	_ =	swait.ge [sflag:s20], $0x2000  }
0x3a: {  	[sflag:s20] =	ssyncset.done $0x0  }
0x3b: {  	[sflag:s20] =	ssyncadd.s32 $0xFFFFE000  }
0x3c: {  	[spmem:s13] =	stream.linear.scatter [tilespmem:s19], [sflag:$0x2], $0x2000, $0x38;
	[tilespmem:$0x1A100] =	vst v63  }
0x3d: {  	_ =	swait.ge [sflag:s20], $0x2000  }
0x3e: {  	[sflag:s20] =	ssyncset.done $0x0  }
0x3f: {  	[sflag:s20] =	ssyncadd.s32 $0xFFFFE000  }
0x40: {  	[spmem:s14] =	stream.linear.scatter [tilespmem:s19], [sflag:$0x2], $0x2000, $0x38;
	[tilespmem:$0x1A100] =	vst v63  }
0x41: {  	_ =	swait.ge [sflag:s20], $0x2000  }
0x42: {  	[sflag:s20] =	ssyncset.done $0x0  }
0x43: {  	[sflag:s20] =	ssyncadd.s32 $0xFFFFE000  }
0x44: {  	[spmem:s15] =	stream.linear.scatter [tilespmem:s19], [sflag:$0x2], $0x2000, $0x38;
	[tilespmem:$0x1A100] =	vst v63  }
0x45: {  	_ =	swait.ge [sflag:s20], $0x2000  }
0x46: {  	[sflag:s20] =	ssyncset.done $0x0  }
0x47: {  	[sflag:s20] =	ssyncadd.s32 $0xFFFFE000  }
0x48: {  	[spmem:s16] =	stream.linear.scatter [tilespmem:s19], [sflag:$0x2], $0x2000, $0x38;
	[tilespmem:$0x1A100] =	vst v63  }
0x49: {  	_ =	swait.ge [sflag:s20], $0x2000  }
0x4a: {  	[sflag:s20] =	ssyncset.done $0x0  }
0x4b: {  	[sflag:s20] =	ssyncadd.s32 $0xFFFFE000  }
0x4c: {  	s30 =	sadd.s32 $0x0, s18;
	[bflag:$0x0] =	sbarrier.arrive $0xFFFF  }
0x4d: {  	[tilespmem:s3], [sflag:$0x2] =	stream.linear.gather [hbm4b:s30+s3], $0x80, $0x38;
	[tilespmem:$0x1A100] =	vst v63  }
0x4e: {  	_ =	swait.ge [sflag:s20], $0x80  }
0x4f: {  	[sflag:s20] =	ssyncset.done $0x0  }
0x50: {  	s31 =	sadd.s32 $0x0, s17;
	[sflag:s20] =	ssyncadd.s32 $0xFFFFFF80  }
0x51: {  	[tilespmem:s21], [sflag:$0x2] =	stream.linear.gather [hbm4b:s31+s3], $0x80, $0x38;
	[tilespmem:$0x1A100] =	vst v63  }
0x52: {  	_ =	swait.ge [sflag:s20], $0x80  }
0x53: {  	[sflag:s20] =	ssyncset.done $0x0  }
0x54: {  	[sflag:s20] =	ssyncadd.s32 $0xFFFFFF80  }
0x55: {  	[tilespmem:s22], [sflag:$0x1] =	stream.indirect.gather [hbm4b:s4+s21], $0x80, s3, s21, $0xb8;
	[tilespmem:$0x1A100] =	vst v63  }
0x56: {  	_ =	swait.ge [sflag:s23], $0x4000  }
0x57: {  	[sflag:s23] =	ssyncset.done $0x0  }
0x58: {  	[sflag:s23] =	ssyncadd.s32 $0xFFFFC000  }
0x59: {  	[spmem:s2] =	stream.indirect.scatter.add.f32 [tilespmem:s22], [sflag:$0x2], $0x80, s21, s21, $0xb8;
	[tilespmem:$0x1A100] =	vst v63  }
0x5a: {  	_ =	swait.ge [sflag:s20], $0x4000  }
0x5b: {  	s25 =	simm.s32 $0x10;
	s26 =	simm.s32 $0x20;
	[sflag:s20] =	ssyncset.done $0x0  }
.LBB2_4:
0x5c: {  	s28 =	sadd.s32 s25, s18  }
0x5d: {  	[sflag:s20] =	ssyncadd.s32 $0xFFFFC000;
	s29 =	smov.u32 s26;
	s30 =	sadd.s32 $0x10, s26  }
0x5e: {  	[tilespmem:s3], [sflag:$0x2] =	stream.linear.gather [hbm4b:s28+s3], $0x80, $0x38;
	[tilespmem:$0x1A100] =	vst v63  }
0x5f: {  	p0 =	sne.s32 s26, $0x4E0;
	_ =	swait.ge [sflag:s20], $0x80  }
0x60: {  	[sflag:s20] =	ssyncset.done $0x0  }
0x61: {  	s26 =	sadd.s32 s25, s17;
	s25 =	smov.u32 s29;
	[sflag:s20] =	ssyncadd.s32 $0xFFFFFF80  }
0x62: {  	[tilespmem:s21], [sflag:$0x2] =	stream.linear.gather [hbm4b:s26+s3], $0x80, $0x38;
	[tilespmem:$0x1A100] =	vst v63  }
0x63: {  	_ =	swait.ge [sflag:s20], $0x80  }
0x64: {  	[sflag:s20] =	ssyncset.done $0x0  }
0x65: {  	[sflag:s20] =	ssyncadd.s32 $0xFFFFFF80  }
0x66: {  	[tilespmem:s22], [sflag:$0x1] =	stream.indirect.gather [hbm4b:s4+s21], $0x80, s3, s21, $0xb8;
	[tilespmem:$0x1A100] =	vst v63  }
0x67: {  	_ =	swait.ge [sflag:s23], $0x4000  }
.Ltmp1:
0x68: {  	[sflag:s23] =	ssyncset.done $0x0;
	(pc) =	sbr.rel @p0 .LBB2_4-.Ltmp1, $4  }
0x69: {  	[sflag:s23] =	ssyncadd.s32 $0xFFFFC000  }
0x6a: {  	[spmem:s2] =	stream.indirect.scatter.add.f32 [tilespmem:s22], [sflag:$0x2], $0x80, s21, s21, $0xb8;
	[tilespmem:$0x1A100] =	vst v63  }
0x6b: {  	_ =	swait.ge [sflag:s20], $0x4000  }
0x6c: {  	s26 =	smov.u32 s30;
	[sflag:s20] =	ssyncset.done $0x0  }
0x6d: {  	s26 =	sadd.s32 s25, s18;
	[sflag:s20] =	ssyncadd.s32 $0xFFFFC000  }
0x6e: {  	[tilespmem:s3], [sflag:$0x2] =	stream.linear.gather [hbm4b:s26+s3], $0x80, $0x38;
	[tilespmem:$0x1A100] =	vst v63  }
0x6f: {  	_ =	swait.ge [sflag:s20], $0x80  }
0x70: {  	[sflag:s20] =	ssyncset.done $0x0  }
0x71: {  	s29 =	sadd.s32 s25, s17;
	[sflag:s20] =	ssyncadd.s32 $0xFFFFFF80  }
0x72: {  	[tilespmem:s21], [sflag:$0x2] =	stream.linear.gather [hbm4b:s29+s3], $0x80, $0x38;
	[tilespmem:$0x1A100] =	vst v63  }
0x73: {  	_ =	swait.ge [sflag:s20], $0x80  }
0x74: {  	[sflag:s20] =	ssyncset.done $0x0  }
0x75: {  	[sflag:s20] =	ssyncadd.s32 $0xFFFFFF80  }
0x76: {  	[tilespmem:s22], [sflag:$0x1] =	stream.indirect.gather [hbm4b:s4+s21], $0x80, s3, s21, $0xb8;
	[tilespmem:$0x1A100] =	vst v63  }
0x77: {  	_ =	swait.ge [sflag:s23], $0x4000  }
0x78: {  	[sflag:s23] =	ssyncset.done $0x0  }
0x79: {  	[sflag:s23] =	ssyncadd.s32 $0xFFFFC000  }
0x7a: {  	[spmem:s2] =	stream.indirect.scatter.add.f32 [tilespmem:s22], [sflag:$0x2], $0x80, s21, s21, $0xb8;
	[tilespmem:$0x1A100] =	vst v63  }
0x7b: {  	_ =	swait.ge [sflag:s20], $0x4000  }
0x7c: {  	s30 =	sshll.u32 s1, $0x6;
	s24 =	sadd.s32 $0x1, s24;
	[sflag:s20] =	ssyncset.done $0x0  }
0x7d: {  	s31 =	sshrl.u32 s5, $0x3;
	p0 =	sne.s32 s24, s7;
	[sflag:s20] =	ssyncadd.s32 $0xFFFFC000  }
.Ltmp2:
0x7e: {  	s25 =	sor.u32 $0x1C02, s30;
	[bflag:$0x0] =	sbarrier.arrive $0xFFFF;
	(pc) =	sbr.rel @p0 .LBB2_1-.Ltmp2, $4  }
0x7f: {  	[hbm:s6], [sflag:s25] =	dma.local [spmem:s31], $0x2800  }
0x80: {  	_ =	swait.ge [sflag:s20], $0x2800  }
0x81: {  	[sflag:s20] =	ssyncset.done $0x0  }
0x82: {  	[sflag:s20] =	ssyncadd.s32 $0xFFFFD800  }
0x83: {  	_ =	sfence.sel $0x180000  }
0x84: {  	[bflag:$0x0] =	sbarrier.arrive $0xFFFF  }
0x85: {  	p0 =	sne.s32 s1, $0x0;
	_ =	strace $0x90000047  }
0x86: {  	s0 =	sadd.s32 @!p0 $0x100000, s0;
	[bflag:$0x2] =	sbarrier.arrive $0xFFFF  }
0x87: {  	[sflag:s0] =	ssyncadd.tile.s32 @!p0 $0x1;
	_ =	shalt  }
.Lfunc_end2:
_tile_overlayer_lowered:
.L_overlay_start_2:
0x88: {  	(tag) =	ssettag $0x2  }
0x89: {  	s0 =	rddreg [dreg:$0x0];
	s2 =	stileid.u32  }
0x8a: {  	s1 =	rddreg [dreg:$0x1];
	p0 =	sne.s32 s2, $0x0  }
0x8b: {  	s3 =	rddreg [dreg:$0x2];
	[bflag:$0x3] =	sbarrier.arrive $0xFFFF;
	s2 =	simm.s32 @!p0 $0x1C02  }
0x8c: {  	[timem:s3], [sflag:s2] =	dma.local @!p0 [hbm:s0], s1  }
0x8d: {  	s0 =	simm.s32 @!p0 $0x2  }
0x8e: {  	_ =	swait.ge @!p0 [sflag:s0], s1  }
0x8f: {  	s1 =	ssub.s32 @!p0 $0x0, s1;
	[sflag:s0] =	ssyncset.done @!p0 $0x0  }
0x90: {  	[sflag:s0] =	ssyncadd.s32 @!p0 s1  }
0x91: {  	[bflag:$0x3] =	sbarrier.arrive $0xFFFF  }
0x92: {  	_ =	shalt  }

// kernel: kernel.16.cloned.1.call-start
scs
__scs_entry_jumppad:
0x0: {  	(pc) =	sbr.rel $0x88, $3  }
0x1: {  	(tag) =	ssettag $0x0;
	lr =	simm.s32 $0x1  }
0x2: {  	[smem:$0x3F96] =	sst lr;
	_ =	strace $0xD0000000  }
0x3: {  	_ = 	snop  }
0x4: {  	_ = 	snop  }
0x5: {  	_ = 	snop  }
0x6: {  	_ = 	snop  }
0x7: {  	_ = 	snop  }
__scs_overlays_trampoline_lowered:
0x8: {  	[smem:$0x3FA5] =	sst s0  }
0x9: {  	[smem:$0x3FA6] =	sst s1  }
0xa: {  	[smem:$0x3FA7] =	sst s2  }
0xb: {  	[smem:$0x3FA8] =	sst s3  }
0xc: {  	[smem:$0x3FA9] =	sst s4  }
0xd: {  	[smem:$0x3FAA] =	sst s5  }
0xe: {  	[smem:$0x3FAB] =	sst s6  }
0xf: {  	[smem:$0x3FAC] =	sst s7  }
0x10: {  	[smem:$0x3FAD] =	sst s8  }
0x11: {  	[smem:$0x3FAE] =	sst s9;
	s0 =	simm.s32 @!p0 $0x0  }
0x12: {  	s1 =	sld [smem:$0x3F94];
	s0 =	simm.s32 @p0 $0x1  }
0x13: {  	[smem:$0x3FAF] =	sst s0;
	s0 =	simm.s32 @!p1 $0x0  }
0x14: {  	s2 =	sld [smem:$0x3F93];
	s0 =	simm.s32 @p1 $0x1  }
0x15: {  	[smem:$0x3FB0] =	sst s0;
	s0 =	simm.s32 @!p2 $0x0  }
0x16: {  	s3 =	sld [smem:$0x3FDB];
	s0 =	simm.s32 @p2 $0x1  }
0x17: {  	s4 =	simm.s32 $0x1BF5;
	[smem:$0x3FB2] =	sst s0  }
0x18: {  	s0 =	sld [smem:$0x3F95];
	_ =	swait.ge [sflag:s4], $0x0  }
0x19: {  	s7 =	sld [smem:$0x3F96]  }
0x1a: {  	s8 =	sadd.s32 $0xFFFFE003, lr  }
0x1b: {  	s9 =	sadd.s32 $0xFFFFFEF7, lr;
	s5 =	simm.s32 $0xFFFFFFFF;
	p2 =	slt.u32 s8, $0xFFFFF086  }
0x1c: {  	p1 =	slt.u32 s9, $0xF7A;
	s5 =	simm.s32 @!p2 $0x0  }
0x1d: {  	s5 =	simm.s32 @p1 $0x1;
	p0 =	seq.s32 s7, s2  }
0x1e: {  	s7 =	smul.u32 @!p0 $0xF7A, s2;
	p2 =	seq.s32 @!p0 s5, $0x0  }
0x1f: {  	s9 =	smul.u32 $0xF7A, s1;
	s8 =	simm.s32 @!p0 $0x1BF5;
	p2 =	por !p2, p0  }
0x20: {  	[sflag:s8] =	ssyncset.s32 @!p0 $0xFFFFF086;
	s6 =	sadd.s32 @!p0 s3, s7;
	s7 =	simm.s32 @!p0 $0x108  }
0x21: {  	s3 =	sadd.s32 s3, s9;
	s6 =	sadd.s32 @!p0 $0x88, s6;
	s7 =	simm.s32 @p2 $0x1082  }
0x22: {  	[simem:s7], [sflag:s8] =	dma.local @!p0 [hbm:s6], $0xF7A  }
0x23: {  	s9 =	sor.u32 $0xD0000000, s2;
	s6 =	simm.s32 $0x108;
	_ =	swait.ge @!p0 [sflag:s8], $0x0  }
0x24: {  	s3 =	sadd.s32 $0x88, s3;
	s6 =	simm.s32 @!p1 $0x1082;
	[sflag:s4] =	ssyncset.s32 $0xFFFFF086  }
0x25: {  	[simem:s6], [sflag:s4] =	dma.local [hbm:s3], $0xF7A  }
0x26: {  	[smem:$0x3F96] =	sst s1;
	(tag) =	ssettag s2;
	_ =	strace s9  }
0x27: {  	s1 =	sld [smem:$0x3FA6]  }
0x28: {  	s2 =	sld [smem:$0x3FA7]  }
0x29: {  	s4 =	sld [smem:$0x3FA9]  }
0x2a: {  	p0 =	seq.s32 s5, $0x0;
	s5 =	sld [smem:$0x3FAA]  }
0x2b: {  	s6 =	sld [smem:$0x3FAB]  }
0x2c: {  	s7 =	sld [smem:$0x3FAC]  }
0x2d: {  	s3 =	simm.s32 $0x108;
	s8 =	sld [smem:$0x3FAD]  }
0x2e: {  	s3 =	simm.s32 @!p0 $0x1082;
	s9 =	sld [smem:$0x3FAE]  }
0x2f: {  	lr =	sadd.s32 s0, s3;
	s0 =	sld [smem:$0x3FA5]  }
0x30: {  	s3 =	sld [smem:$0x3FA8]  }
0x31: {  	[smem:$0x3FB1] =	sst s10  }
0x32: {  	s10 =	sld [smem:$0x3FAF];
	_ =	sdelay $0x3  }
0x33: {  	p0 =	seq.s32 s10, $0x1;
	s10 =	sld [smem:$0x3FB1];
	_ =	sdelay $0x3  }
0x34: {  	[smem:$0x3FB1] =	sst s10  }
0x35: {  	s10 =	sld [smem:$0x3FB0];
	_ =	sdelay $0x3  }
0x36: {  	p1 =	seq.s32 s10, $0x1;
	s10 =	sld [smem:$0x3FB1];
	_ =	sdelay $0x3  }
0x37: {  	[smem:$0x3FB1] =	sst s10  }
0x38: {  	s10 =	sld [smem:$0x3FB2]  }
0x39: {  	_ = 	snop;
	(pc) =	sbr.ind lr, $3  }
0x3a: {  	_ = 	snop  }
0x3b: {  	_ = 	snop  }
0x3c: {  	p2 =	seq.s32 s10, $0x1;
	s10 =	sld [smem:$0x3FB1]  }
0x3d: {  	_ =	shalt  }
0x3e: {  	_ =	shalt  }
0x3f: {  	_ =	shalt  }
0x40: {  	_ =	shalt  }
0x41: {  	_ =	shalt  }
0x42: {  	_ =	shalt  }
0x43: {  	_ =	shalt  }
0x44: {  	_ =	shalt  }
0x45: {  	_ =	shalt  }
0x46: {  	_ =	shalt  }
0x47: {  	_ =	shalt  }
0x48: {  	_ =	shalt  }
0x49: {  	_ =	shalt  }
0x4a: {  	_ =	shalt  }
0x4b: {  	_ =	shalt  }
0x4c: {  	_ =	shalt  }
0x4d: {  	_ =	shalt  }
0x4e: {  	_ =	shalt  }
0x4f: {  	_ =	shalt  }
0x50: {  	_ =	shalt  }
0x51: {  	_ =	shalt  }
0x52: {  	_ =	shalt  }
0x53: {  	_ =	shalt  }
0x54: {  	_ =	shalt  }
0x55: {  	_ =	shalt  }
0x56: {  	_ =	shalt  }
0x57: {  	_ =	shalt  }
0x58: {  	_ =	shalt  }
0x59: {  	_ =	shalt  }
0x5a: {  	_ =	shalt  }
0x5b: {  	_ =	shalt  }
0x5c: {  	_ =	shalt  }
0x5d: {  	_ =	shalt  }
0x5e: {  	_ =	shalt  }
0x5f: {  	_ =	shalt  }
0x60: {  	_ =	shalt  }
0x61: {  	_ =	shalt  }
0x62: {  	_ =	shalt  }
0x63: {  	_ =	shalt  }
0x64: {  	_ =	shalt  }
0x65: {  	_ =	shalt  }
0x66: {  	_ =	shalt  }
0x67: {  	_ =	shalt  }
0x68: {  	_ =	shalt  }
0x69: {  	_ =	shalt  }
0x6a: {  	_ =	shalt  }
0x6b: {  	_ =	shalt  }
0x6c: {  	_ =	shalt  }
0x6d: {  	_ =	shalt  }
0x6e: {  	_ =	shalt  }
0x6f: {  	_ =	shalt  }
0x70: {  	_ =	shalt  }
0x71: {  	_ =	shalt  }
0x72: {  	_ =	shalt  }
0x73: {  	_ =	shalt  }
0x74: {  	_ =	shalt  }
0x75: {  	_ =	shalt  }
0x76: {  	_ =	shalt  }
0x77: {  	_ =	shalt  }
0x78: {  	_ =	shalt  }
0x79: {  	_ =	shalt  }
0x7a: {  	_ =	shalt  }
0x7b: {  	_ =	shalt  }
0x7c: {  	_ =	shalt  }
0x7d: {  	_ =	shalt  }
0x7e: {  	_ =	shalt  }
0x7f: {  	_ =	shalt  }
0x80: {  	_ =	shalt  }
0x81: {  	_ =	shalt  }
0x82: {  	_ =	shalt  }
0x83: {  	_ =	shalt  }
0x84: {  	_ =	shalt  }
0x85: {  	_ =	shalt  }
0x86: {  	_ =	shalt  }
0x87: {  	_ =	shalt  }
.Lfunc_end0:
.L_simem_size_0:
called_computation.2_lowered:
.L_overlay_start_0:
0x88: {  	s2 =	sld [smem:$0x3FD9]  }
0x89: {  	s3 =	sld [smem:$0x3FFE];
	_ =	sdelay $0x1  }
0x8a: {  	s1 =	srdreg.scid  }
0x8b: {  	s0 =	sand.u32 $0x1, s1  }
0x8c: {  	s17 =	sshll.u32 s0, $0xA;
	s2 =	sadd.s32 s3, s2  }
0x8d: {  	s2 =	sadd.s32 s2, s17  }
0x8e: {  	[smem:$0x3FBD] =	sst s2  }
0x8f: {  	_ = 	snop  }
0x90: {  	s2 =	sld [smem:$0x3FD0];
	(tm) =	ssettm $0x1  }
0x91: {  	s18 =	sld [smem:$0x3FFB];
	_ =	sdelay $0x3  }
0x92: {  	_ =	strace s18  }
0x93: {  	s3 =	sld [smem:$0x3FFC];
	_ =	sdelay $0x3  }
0x94: {  	_ =	strace s3  }
0x95: {  	s3 =	sld [smem:$0x3FFD];
	_ =	sdelay $0x3  }
0x96: {  	_ =	strace s3  }
0x97: {  	_ =	strace $0x8FFFFFFF  }
0x98: {  	s19 =	sld [smem:$0x3FDB];
	_ =	sdelay $0x1  }
0x99: {  	s4 =	simm.s32 $_scs_section_size  }
0x9a: {  	s5 =	simm.s32 $_size__tile_overlayer_lowered;
	s6 =	simm.s32 $_tile_overlayer_lowered  }
0x9b: {  	s22 =	simm.s32 $0x1BFF;
	s21 =	sshll.u32 s6, $0x1;
	s3 =	sadd.s32 s4, s19  }
0x9c: {  	s7 =	simm.s32 $0x0;
	s20 =	sshll.u32 s5, $0x1;
	s5 =	sadd.s32 s21, s3  }
0x9d: {  	[timem:s7], [sflag:s22] =	dma.local [hbm:s5], s20  }
0x9e: {  	_ =	swait.ge [sflag:s22], s20  }
0x9f: {  	s4 =	ssub.s32 $0x0, s20;
	[sflag:s22] =	ssyncset.done $0x0  }
0xa0: {  	[sflag:s22] =	ssyncadd.s32 s4;
	_ =	sdelay $0x1  }
0xa1: {  	s23 =	simm.s32 $0x1B8B  }
0xa2: {  	_ =	swait.ge [sflag:s23], $0x1  }
0xa3: {  	[sflag:s23] =	ssyncset.done $0x0  }
0xa4: {  	s25 =	simm.s32 $0x1B8E;
	s24 =	sld [smem:$0x3FFE];
	[sflag:s23] =	ssyncadd.s32 $0xFFFFFFFF  }
0xa5: {  	s26 =	simm.s32 $execute0_lowered;
	[smem:$0x3FD2] =	sst s25  }
0xa6: {  	s5 =	sshll.u32 s26, $0x1;
	_ =	strace $0x8000004C;
	[dreg:$0x1] =	wrdreg $0xFFFFFFFF  }
0xa7: {  	s28 =	simm.s32 $_size_execute0_lowered;
	s3 =	sadd.s32 s3, s5;
	[dreg:$0x0] =	wrdreg $0x0  }
0xa8: {  	s5 =	sshll.u32 s28, $0x1;
	[dreg:$0x2] =	wrdreg s3  }
0xa9: {  	[dreg:$0x3] =	wrdreg s5  }
0xaa: {  	[dreg:$0x4] =	wrdreg $0xC0  }
0xab: {  	_ =	task [dreg:s7], $0x5FFFF  }
0xac: {  	[dreg:$0x1] =	wrdreg $0xFFFFFFFF  }
0xad: {  	[dreg:$0x0] =	wrdreg $0x60  }
0xae: {  	[dreg:$0x2] =	wrdreg s2  }
0xaf: {  	[dreg:$0x3] =	wrdreg s24  }
0xb0: {  	[dreg:$0x4] =	wrdreg $0x61000  }
0xb1: {  	[dreg:$0x5] =	wrdreg $0x9  }
0xb2: {  	_ =	task.clear_ibuf [dreg:s7], $0x6FFFF;
	_ =	strace $0x9000004C  }
0xb3: {  	s29 =	simm.s32 $0x9;
	_ =	strace $0x8000004E  }
0xb4: {  	_ =	swait.ge [sflag:s29], $0x1  }
0xb5: {  	[sflag:s29] =	ssyncadd.s32 $0xFFFFFFFF  }
0xb6: {  	_ =	strace $0x9000004E  }
0xb7: {  	_ =	sfence  }
0xb8: {  	s30 =	sld [smem:$0x0];
	_ =	sdelay $0x2  }
0xb9: {  	s31 =	sshll.u32 s1, $0xD;
	s1 =	sshrl.u32 s1, $0x2  }
0xba: {  	s3 =	sand.u32 $0x4000, s31;
	s1 =	sadd.s32 s1, s30  }
0xbb: {  	s0 =	sor.u32 s3, s0;
	s1 =	sshll.u32 s1, $0x11  }
0xbc: {  	s0 =	sor.u32 s1, s0  }
0xbd: {  	s0 =	sadd.s32 $0x8F2B, s0  }
0xbe: {  	[sflag:s0] =	ssyncadd.remote.s32 $0x1  }
0xbf: {  	_ =	sfence.sel $0xFFFF  }
0xc0: {  	[dreg:$0x0] =	wrdreg $0xFFFFFFFF;
	(pc) =	sbr.abs _section_cstart, $3  }
0xc1: {  	[dreg:$0x1] =	wrdreg $0xFFFFFFFF  }
0xc2: {  	_ =	task.clear_ibuf [dreg:s7], $0x2FFFF;
	_ =	strace $0x9FFFFFFF  }
0xc3: {  	(tm) =	ssettm $0x7FFFFFFF  }
tec
execute0_lowered:
.L_overlay_start_1:
0x0: {  	(tag) =	ssettag $0x1  }
0x1: {  	s16 =	rddreg [dreg:$0x0]  }
0x2: {  	s5 =	rddreg [dreg:$0x1]  }
0x3: {  	s2 =	rddreg [dreg:$0x2]  }
0x4: {  	s0 =	rddreg [dreg:$0x3]  }
0x5: {  	s1 =	stileid.u32;
	s4 =	srdreg.scid  }
0x6: {  	s3 =	simm.s32 $0x0;
	s21 =	simm.s32 $0x80;
	s17 =	smul.u32 $0x9E0, s1  }
0x7: {  	s22 =	simm.s32 $0x100;
	s23 =	simm.s32 $0x1;
	s6 =	smul.u32 $0x2800, s1  }
0x8: {  	s24 =	simm.s32 $0x0;
	s12 =	sand.u32 $0x1, s4;
	s8 =	smul.u32 $0x50000, s1  }
0x9: {  	[smem:$0x7FF] =	sst s3;
	s4 =	sadd.s32 $0xCE00, s5;
	s7 =	smul.u32 $0x28000, s12  }
0xa: {  	_ =	strace $0x8000004D;
	s30 =	ssub.s32 $0x2, s12;
	s19 =	smul.u32 $0x4F0, s12  }
0xb: {  	s18 =	sadd.s32 s17, s5;
	s31 =	sshrl.u32 s30, $0x1;
	s8 =	sshrl.u32 s8, $0x2  }
0xc: {  	s20 =	sadd.s32 s17, s16;
	s6 =	sadd.s32 s6, s7;
	s7 =	ssub.s32 s30, s31  }
0xd: {  	s18 =	sadd.s32 s19, s18;
	s6 =	sadd.s32 s6, s5;
	s5 =	sadd.s32 s8, s2  }
0xe: {  	s7 =	smax.u32 s7, $0x1;
	s17 =	sadd.s32 $0x3000, s18;
	s18 =	sadd.s32 s19, s20  }
0xf: {  	s19 =	simm.s32 $0x4100;
	s20 =	simm.s32 $0x2;
	s6 =	sadd.s32 $0x34000, s6  }
0x10: {  	s8 =	sadd.s32 $0x2000, s5;
	s9 =	sadd.s32 $0x4000, s5;
	s10 =	sadd.s32 $0x6000, s5  }
0x11: {  	s11 =	sadd.s32 $0x8000, s5;
	s12 =	sadd.s32 $0xA000, s5;
	s13 =	sadd.s32 $0xC000, s5  }
0x12: {  	v0 =	vimm.f32 $0.0e+00;
	s14 =	sadd.s32 $0xE000, s5;
	s15 =	sadd.s32 $0x10000, s5;
	s16 =	sadd.s32 $0x12000, s5  }
.LBB2_1:
0x13: {  	s25 =	simm.s32 $0x0;
	s26 =	simm.s32 $0x200  }
.LBB2_2:
0x14: {  	p0 =	sne.s32 s26, $0x7E00;
	[tilespmem:s25+$0x4170] =	vst v0  }
0x15: {  	[tilespmem:s25+$0x4100] =	vst v0  }
0x16: {  	[tilespmem:s25+$0x4110] =	vst v0  }
.Ltmp0:
0x17: {  	[tilespmem:s25+$0x4120] =	vst v0;
	(pc) =	sbr.rel @p0 .LBB2_2-.Ltmp0, $4  }
0x18: {  	[tilespmem:s25+$0x4130] =	vst v0  }
0x19: {  	[tilespmem:s25+$0x4140] =	vst v0  }
0x1a: {  	[tilespmem:s25+$0x4150] =	vst v0  }
0x1b: {  	[tilespmem:s25+$0x4160] =	vst v0;
	s25 =	sshra.s32 s26, $0x2;
	s26 =	sadd.s32 $0x200, s26  }
0x1c: {  	[tilespmem:s25+$0x4170] =	vst v0  }
0x1d: {  	[tilespmem:s25+$0x4100] =	vst v0  }
0x1e: {  	[tilespmem:s25+$0x4110] =	vst v0  }
0x1f: {  	[tilespmem:s25+$0x4120] =	vst v0  }
0x20: {  	[tilespmem:s25+$0x4130] =	vst v0  }
0x21: {  	[tilespmem:s25+$0x4140] =	vst v0  }
0x22: {  	[tilespmem:s25+$0x4150] =	vst v0  }
0x23: {  	[tilespmem:s25+$0x4160] =	vst v0  }
0x24: {  	[spmem:s5] =	stream.linear.scatter [tilespmem:s19], [sflag:$0x2], $0x2000, $0x38;
	[tilespmem:$0x1A100] =	vst v63  }
0x25: {  	_ =	swait.ge [sflag:s20], $0x2000  }
0x26: {  	[sflag:s20] =	ssyncset.done $0x0  }
0x27: {  	[sflag:s20] =	ssyncadd.s32 $0xFFFFE000  }
0x28: {  	[spmem:s8] =	stream.linear.scatter [tilespmem:s19], [sflag:$0x2], $0x2000, $0x38;
	[tilespmem:$0x1A100] =	vst v63  }
0x29: {  	_ =	swait.ge [sflag:s20], $0x2000  }
0x2a: {  	[sflag:s20] =	ssyncset.done $0x0  }
0x2b: {  	[sflag:s20] =	ssyncadd.s32 $0xFFFFE000  }
0x2c: {  	[spmem:s9] =	stream.linear.scatter [tilespmem:s19], [sflag:$0x2], $0x2000, $0x38;
	[tilespmem:$0x1A100] =	vst v63  }
0x2d: {  	_ =	swait.ge [sflag:s20], $0x2000  }
0x2e: {  	[sflag:s20] =	ssyncset.done $0x0  }
0x2f: {  	[sflag:s20] =	ssyncadd.s32 $0xFFFFE000  }
0x30: {  	[spmem:s10] =	stream.linear.scatter [tilespmem:s19], [sflag:$0x2], $0x2000, $0x38;
	[tilespmem:$0x1A100] =	vst v63  }
0x31: {  	_ =	swait.ge [sflag:s20], $0x2000  }
0x32: {  	[sflag:s20] =	ssyncset.done $0x0  }
0x33: {  	[sflag:s20] =	ssyncadd.s32 $0xFFFFE000  }
0x34: {  	[spmem:s11] =	stream.linear.scatter [tilespmem:s19], [sflag:$0x2], $0x2000, $0x38;
	[tilespmem:$0x1A100] =	vst v63  }
0x35: {  	_ =	swait.ge [sflag:s20], $0x2000  }
0x36: {  	[sflag:s20] =	ssyncset.done $0x0  }
0x37: {  	[sflag:s20] =	ssyncadd.s32 $0xFFFFE000  }
0x38: {  	[spmem:s12] =	stream.linear.scatter [tilespmem:s19], [sflag:$0x2], $0x2000, $0x38;
	[tilespmem:$0x1A100] =	vst v63  }
0x39: {  	_ =	swait.ge [sflag:s20], $0x2000  }
0x3a: {  	[sflag:s20] =	ssyncset.done $0x0  }
0x3b: {  	[sflag:s20] =	ssyncadd.s32 $0xFFFFE000  }
0x3c: {  	[spmem:s13] =	stream.linear.scatter [tilespmem:s19], [sflag:$0x2], $0x2000, $0x38;
	[tilespmem:$0x1A100] =	vst v63  }
0x3d: {  	_ =	swait.ge [sflag:s20], $0x2000  }
0x3e: {  	[sflag:s20] =	ssyncset.done $0x0  }
0x3f: {  	[sflag:s20] =	ssyncadd.s32 $0xFFFFE000  }
0x40: {  	[spmem:s14] =	stream.linear.scatter [tilespmem:s19], [sflag:$0x2], $0x2000, $0x38;
	[tilespmem:$0x1A100] =	vst v63  }
0x41: {  	_ =	swait.ge [sflag:s20], $0x2000  }
0x42: {  	[sflag:s20] =	ssyncset.done $0x0  }
0x43: {  	[sflag:s20] =	ssyncadd.s32 $0xFFFFE000  }
0x44: {  	[spmem:s15] =	stream.linear.scatter [tilespmem:s19], [sflag:$0x2], $0x2000, $0x38;
	[tilespmem:$0x1A100] =	vst v63  }
0x45: {  	_ =	swait.ge [sflag:s20], $0x2000  }
0x46: {  	[sflag:s20] =	ssyncset.done $0x0  }
0x47: {  	[sflag:s20] =	ssyncadd.s32 $0xFFFFE000  }
0x48: {  	[spmem:s16] =	stream.linear.scatter [tilespmem:s19], [sflag:$0x2], $0x2000, $0x38;
	[tilespmem:$0x1A100] =	vst v63  }
0x49: {  	_ =	swait.ge [sflag:s20], $0x2000  }
0x4a: {  	[sflag:s20] =	ssyncset.done $0x0  }
0x4b: {  	[sflag:s20] =	ssyncadd.s32 $0xFFFFE000  }
0x4c: {  	s30 =	sadd.s32 $0x0, s18;
	[bflag:$0x0] =	sbarrier.arrive $0xFFFF  }
0x4d: {  	[tilespmem:s3], [sflag:$0x2] =	stream.linear.gather [hbm4b:s30+s3], $0x80, $0x38;
	[tilespmem:$0x1A100] =	vst v63  }
0x4e: {  	_ =	swait.ge [sflag:s20], $0x80  }
0x4f: {  	[sflag:s20] =	ssyncset.done $0x0  }
0x50: {  	s31 =	sadd.s32 $0x0, s17;
	[sflag:s20] =	ssyncadd.s32 $0xFFFFFF80  }
0x51: {  	[tilespmem:s21], [sflag:$0x2] =	stream.linear.gather [hbm4b:s31+s3], $0x80, $0x38;
	[tilespmem:$0x1A100] =	vst v63  }
0x52: {  	_ =	swait.ge [sflag:s20], $0x80  }
0x53: {  	[sflag:s20] =	ssyncset.done $0x0  }
0x54: {  	[sflag:s20] =	ssyncadd.s32 $0xFFFFFF80  }
0x55: {  	[tilespmem:s22], [sflag:$0x1] =	stream.indirect.gather [hbm4b:s4+s21], $0x80, s3, s21, $0xb8;
	[tilespmem:$0x1A100] =	vst v63  }
0x56: {  	_ =	swait.ge [sflag:s23], $0x4000  }
0x57: {  	[sflag:s23] =	ssyncset.done $0x0  }
0x58: {  	[sflag:s23] =	ssyncadd.s32 $0xFFFFC000  }
0x59: {  	[spmem:s2] =	stream.indirect.scatter.add.f32 [tilespmem:s22], [sflag:$0x2], $0x80, s21, s21, $0xb8;
	[tilespmem:$0x1A100] =	vst v63  }
0x5a: {  	_ =	swait.ge [sflag:s20], $0x4000  }
0x5b: {  	s25 =	simm.s32 $0x10;
	s26 =	simm.s32 $0x20;
	[sflag:s20] =	ssyncset.done $0x0  }
.LBB2_4:
0x5c: {  	s28 =	sadd.s32 s25, s18  }
0x5d: {  	[sflag:s20] =	ssyncadd.s32 $0xFFFFC000;
	s29 =	smov.u32 s26;
	s30 =	sadd.s32 $0x10, s26  }
0x5e: {  	[tilespmem:s3], [sflag:$0x2] =	stream.linear.gather [hbm4b:s28+s3], $0x80, $0x38;
	[tilespmem:$0x1A100] =	vst v63  }
0x5f: {  	p0 =	sne.s32 s26, $0x4E0;
	_ =	swait.ge [sflag:s20], $0x80  }
0x60: {  	[sflag:s20] =	ssyncset.done $0x0  }
0x61: {  	s26 =	sadd.s32 s25, s17;
	s25 =	smov.u32 s29;
	[sflag:s20] =	ssyncadd.s32 $0xFFFFFF80  }
0x62: {  	[tilespmem:s21], [sflag:$0x2] =	stream.linear.gather [hbm4b:s26+s3], $0x80, $0x38;
	[tilespmem:$0x1A100] =	vst v63  }
0x63: {  	_ =	swait.ge [sflag:s20], $0x80  }
0x64: {  	[sflag:s20] =	ssyncset.done $0x0  }
0x65: {  	[sflag:s20] =	ssyncadd.s32 $0xFFFFFF80  }
0x66: {  	[tilespmem:s22], [sflag:$0x1] =	stream.indirect.gather [hbm4b:s4+s21], $0x80, s3, s21, $0xb8;
	[tilespmem:$0x1A100] =	vst v63  }
0x67: {  	_ =	swait.ge [sflag:s23], $0x4000  }
.Ltmp1:
0x68: {  	[sflag:s23] =	ssyncset.done $0x0;
	(pc) =	sbr.rel @p0 .LBB2_4-.Ltmp1, $4  }
0x69: {  	[sflag:s23] =	ssyncadd.s32 $0xFFFFC000  }
0x6a: {  	[spmem:s2] =	stream.indirect.scatter.add.f32 [tilespmem:s22], [sflag:$0x2], $0x80, s21, s21, $0xb8;
	[tilespmem:$0x1A100] =	vst v63  }
0x6b: {  	_ =	swait.ge [sflag:s20], $0x4000  }
0x6c: {  	s26 =	smov.u32 s30;
	[sflag:s20] =	ssyncset.done $0x0  }
0x6d: {  	s26 =	sadd.s32 s25, s18;
	[sflag:s20] =	ssyncadd.s32 $0xFFFFC000  }
0x6e: {  	[tilespmem:s3], [sflag:$0x2] =	stream.linear.gather [hbm4b:s26+s3], $0x80, $0x38;
	[tilespmem:$0x1A100] =	vst v63  }
0x6f: {  	_ =	swait.ge [sflag:s20], $0x80  }
0x70: {  	[sflag:s20] =	ssyncset.done $0x0  }
0x71: {  	s29 =	sadd.s32 s25, s17;
	[sflag:s20] =	ssyncadd.s32 $0xFFFFFF80  }
0x72: {  	[tilespmem:s21], [sflag:$0x2] =	stream.linear.gather [hbm4b:s29+s3], $0x80, $0x38;
	[tilespmem:$0x1A100] =	vst v63  }
0x73: {  	_ =	swait.ge [sflag:s20], $0x80  }
0x74: {  	[sflag:s20] =	ssyncset.done $0x0  }
0x75: {  	[sflag:s20] =	ssyncadd.s32 $0xFFFFFF80  }
0x76: {  	[tilespmem:s22], [sflag:$0x1] =	stream.indirect.gather [hbm4b:s4+s21], $0x80, s3, s21, $0xb8;
	[tilespmem:$0x1A100] =	vst v63  }
0x77: {  	_ =	swait.ge [sflag:s23], $0x4000  }
0x78: {  	[sflag:s23] =	ssyncset.done $0x0  }
0x79: {  	[sflag:s23] =	ssyncadd.s32 $0xFFFFC000  }
0x7a: {  	[spmem:s2] =	stream.indirect.scatter.add.f32 [tilespmem:s22], [sflag:$0x2], $0x80, s21, s21, $0xb8;
	[tilespmem:$0x1A100] =	vst v63  }
0x7b: {  	_ =	swait.ge [sflag:s20], $0x4000  }
0x7c: {  	s30 =	sshll.u32 s1, $0x6;
	s24 =	sadd.s32 $0x1, s24;
	[sflag:s20] =	ssyncset.done $0x0  }
0x7d: {  	s31 =	sshrl.u32 s5, $0x3;
	p0 =	sne.s32 s24, s7;
	[sflag:s20] =	ssyncadd.s32 $0xFFFFC000  }
.Ltmp2:
0x7e: {  	s25 =	sor.u32 $0x1C02, s30;
	[bflag:$0x0] =	sbarrier.arrive $0xFFFF;
	(pc) =	sbr.rel @p0 .LBB2_1-.Ltmp2, $4  }
0x7f: {  	[hbm:s6], [sflag:s25] =	dma.local [spmem:s31], $0x2800  }
0x80: {  	_ =	swait.ge [sflag:s20], $0x2800  }
0x81: {  	[sflag:s20] =	ssyncset.done $0x0  }
0x82: {  	[sflag:s20] =	ssyncadd.s32 $0xFFFFD800  }
0x83: {  	_ =	sfence.sel $0x180000  }
0x84: {  	[bflag:$0x0] =	sbarrier.arrive $0xFFFF  }
0x85: {  	p0 =	sne.s32 s1, $0x0;
	_ =	strace $0x9000004D  }
0x86: {  	s0 =	sadd.s32 @!p0 $0x100000, s0;
	[bflag:$0x2] =	sbarrier.arrive $0xFFFF  }
0x87: {  	[sflag:s0] =	ssyncadd.tile.s32 @!p0 $0x1;
	_ =	shalt  }
.Lfunc_end2:
_tile_overlayer_lowered:
.L_overlay_start_2:
0x88: {  	(tag) =	ssettag $0x2  }
0x89: {  	s0 =	rddreg [dreg:$0x0];
	s2 =	stileid.u32  }
0x8a: {  	s1 =	rddreg [dreg:$0x1];
	p0 =	sne.s32 s2, $0x0  }
0x8b: {  	s3 =	rddreg [dreg:$0x2];
	[bflag:$0x3] =	sbarrier.arrive $0xFFFF;
	s2 =	simm.s32 @!p0 $0x1C02  }
0x8c: {  	[timem:s3], [sflag:s2] =	dma.local @!p0 [hbm:s0], s1  }
0x8d: {  	s0 =	simm.s32 @!p0 $0x2  }
0x8e: {  	_ =	swait.ge @!p0 [sflag:s0], s1  }
0x8f: {  	s1 =	ssub.s32 @!p0 $0x0, s1;
	[sflag:s0] =	ssyncset.done @!p0 $0x0  }
0x90: {  	[sflag:s0] =	ssyncadd.s32 @!p0 s1  }
0x91: {  	[bflag:$0x3] =	sbarrier.arrive $0xFFFF  }
0x92: {  	_ =	shalt  }

// kernel: kernel.19.cloned.1.call-start
scs
__scs_entry_jumppad:
0x0: {  	(pc) =	sbr.rel $0x88, $3  }
0x1: {  	(tag) =	ssettag $0x0;
	lr =	simm.s32 $0x1  }
0x2: {  	[smem:$0x3F96] =	sst lr;
	_ =	strace $0xD0000000  }
0x3: {  	_ = 	snop  }
0x4: {  	_ = 	snop  }
0x5: {  	_ = 	snop  }
0x6: {  	_ = 	snop  }
0x7: {  	_ = 	snop  }
__scs_overlays_trampoline_lowered:
0x8: {  	[smem:$0x3FA5] =	sst s0  }
0x9: {  	[smem:$0x3FA6] =	sst s1  }
0xa: {  	[smem:$0x3FA7] =	sst s2  }
0xb: {  	[smem:$0x3FA8] =	sst s3  }
0xc: {  	[smem:$0x3FA9] =	sst s4  }
0xd: {  	[smem:$0x3FAA] =	sst s5  }
0xe: {  	[smem:$0x3FAB] =	sst s6  }
0xf: {  	[smem:$0x3FAC] =	sst s7  }
0x10: {  	[smem:$0x3FAD] =	sst s8  }
0x11: {  	[smem:$0x3FAE] =	sst s9;
	s0 =	simm.s32 @!p0 $0x0  }
0x12: {  	s1 =	sld [smem:$0x3F94];
	s0 =	simm.s32 @p0 $0x1  }
0x13: {  	[smem:$0x3FAF] =	sst s0;
	s0 =	simm.s32 @!p1 $0x0  }
0x14: {  	s2 =	sld [smem:$0x3F93];
	s0 =	simm.s32 @p1 $0x1  }
0x15: {  	[smem:$0x3FB0] =	sst s0;
	s0 =	simm.s32 @!p2 $0x0  }
0x16: {  	s3 =	sld [smem:$0x3FDB];
	s0 =	simm.s32 @p2 $0x1  }
0x17: {  	s4 =	simm.s32 $0x1BF5;
	[smem:$0x3FB2] =	sst s0  }
0x18: {  	s0 =	sld [smem:$0x3F95];
	_ =	swait.ge [sflag:s4], $0x0  }
0x19: {  	s7 =	sld [smem:$0x3F96]  }
0x1a: {  	s8 =	sadd.s32 $0xFFFFE003, lr  }
0x1b: {  	s9 =	sadd.s32 $0xFFFFFEF7, lr;
	s5 =	simm.s32 $0xFFFFFFFF;
	p2 =	slt.u32 s8, $0xFFFFF086  }
0x1c: {  	p1 =	slt.u32 s9, $0xF7A;
	s5 =	simm.s32 @!p2 $0x0  }
0x1d: {  	s5 =	simm.s32 @p1 $0x1;
	p0 =	seq.s32 s7, s2  }
0x1e: {  	s7 =	smul.u32 @!p0 $0xF7A, s2;
	p2 =	seq.s32 @!p0 s5, $0x0  }
0x1f: {  	s9 =	smul.u32 $0xF7A, s1;
	s8 =	simm.s32 @!p0 $0x1BF5;
	p2 =	por !p2, p0  }
0x20: {  	[sflag:s8] =	ssyncset.s32 @!p0 $0xFFFFF086;
	s6 =	sadd.s32 @!p0 s3, s7;
	s7 =	simm.s32 @!p0 $0x108  }
0x21: {  	s3 =	sadd.s32 s3, s9;
	s6 =	sadd.s32 @!p0 $0x88, s6;
	s7 =	simm.s32 @p2 $0x1082  }
0x22: {  	[simem:s7], [sflag:s8] =	dma.local @!p0 [hbm:s6], $0xF7A  }
0x23: {  	s9 =	sor.u32 $0xD0000000, s2;
	s6 =	simm.s32 $0x108;
	_ =	swait.ge @!p0 [sflag:s8], $0x0  }
0x24: {  	s3 =	sadd.s32 $0x88, s3;
	s6 =	simm.s32 @!p1 $0x1082;
	[sflag:s4] =	ssyncset.s32 $0xFFFFF086  }
0x25: {  	[simem:s6], [sflag:s4] =	dma.local [hbm:s3], $0xF7A  }
0x26: {  	[smem:$0x3F96] =	sst s1;
	(tag) =	ssettag s2;
	_ =	strace s9  }
0x27: {  	s1 =	sld [smem:$0x3FA6]  }
0x28: {  	s2 =	sld [smem:$0x3FA7]  }
0x29: {  	s4 =	sld [smem:$0x3FA9]  }
0x2a: {  	p0 =	seq.s32 s5, $0x0;
	s5 =	sld [smem:$0x3FAA]  }
0x2b: {  	s6 =	sld [smem:$0x3FAB]  }
0x2c: {  	s7 =	sld [smem:$0x3FAC]  }
0x2d: {  	s3 =	simm.s32 $0x108;
	s8 =	sld [smem:$0x3FAD]  }
0x2e: {  	s3 =	simm.s32 @!p0 $0x1082;
	s9 =	sld [smem:$0x3FAE]  }
0x2f: {  	lr =	sadd.s32 s0, s3;
	s0 =	sld [smem:$0x3FA5]  }
0x30: {  	s3 =	sld [smem:$0x3FA8]  }
0x31: {  	[smem:$0x3FB1] =	sst s10  }
0x32: {  	s10 =	sld [smem:$0x3FAF];
	_ =	sdelay $0x3  }
0x33: {  	p0 =	seq.s32 s10, $0x1;
	s10 =	sld [smem:$0x3FB1];
	_ =	sdelay $0x3  }
0x34: {  	[smem:$0x3FB1] =	sst s10  }
0x35: {  	s10 =	sld [smem:$0x3FB0];
	_ =	sdelay $0x3  }
0x36: {  	p1 =	seq.s32 s10, $0x1;
	s10 =	sld [smem:$0x3FB1];
	_ =	sdelay $0x3  }
0x37: {  	[smem:$0x3FB1] =	sst s10  }
0x38: {  	s10 =	sld [smem:$0x3FB2]  }
0x39: {  	_ = 	snop;
	(pc) =	sbr.ind lr, $3  }
0x3a: {  	_ = 	snop  }
0x3b: {  	_ = 	snop  }
0x3c: {  	p2 =	seq.s32 s10, $0x1;
	s10 =	sld [smem:$0x3FB1]  }
0x3d: {  	_ =	shalt  }
0x3e: {  	_ =	shalt  }
0x3f: {  	_ =	shalt  }
0x40: {  	_ =	shalt  }
0x41: {  	_ =	shalt  }
0x42: {  	_ =	shalt  }
0x43: {  	_ =	shalt  }
0x44: {  	_ =	shalt  }
0x45: {  	_ =	shalt  }
0x46: {  	_ =	shalt  }
0x47: {  	_ =	shalt  }
0x48: {  	_ =	shalt  }
0x49: {  	_ =	shalt  }
0x4a: {  	_ =	shalt  }
0x4b: {  	_ =	shalt  }
0x4c: {  	_ =	shalt  }
0x4d: {  	_ =	shalt  }
0x4e: {  	_ =	shalt  }
0x4f: {  	_ =	shalt  }
0x50: {  	_ =	shalt  }
0x51: {  	_ =	shalt  }
0x52: {  	_ =	shalt  }
0x53: {  	_ =	shalt  }
0x54: {  	_ =	shalt  }
0x55: {  	_ =	shalt  }
0x56: {  	_ =	shalt  }
0x57: {  	_ =	shalt  }
0x58: {  	_ =	shalt  }
0x59: {  	_ =	shalt  }
0x5a: {  	_ =	shalt  }
0x5b: {  	_ =	shalt  }
0x5c: {  	_ =	shalt  }
0x5d: {  	_ =	shalt  }
0x5e: {  	_ =	shalt  }
0x5f: {  	_ =	shalt  }
0x60: {  	_ =	shalt  }
0x61: {  	_ =	shalt  }
0x62: {  	_ =	shalt  }
0x63: {  	_ =	shalt  }
0x64: {  	_ =	shalt  }
0x65: {  	_ =	shalt  }
0x66: {  	_ =	shalt  }
0x67: {  	_ =	shalt  }
0x68: {  	_ =	shalt  }
0x69: {  	_ =	shalt  }
0x6a: {  	_ =	shalt  }
0x6b: {  	_ =	shalt  }
0x6c: {  	_ =	shalt  }
0x6d: {  	_ =	shalt  }
0x6e: {  	_ =	shalt  }
0x6f: {  	_ =	shalt  }
0x70: {  	_ =	shalt  }
0x71: {  	_ =	shalt  }
0x72: {  	_ =	shalt  }
0x73: {  	_ =	shalt  }
0x74: {  	_ =	shalt  }
0x75: {  	_ =	shalt  }
0x76: {  	_ =	shalt  }
0x77: {  	_ =	shalt  }
0x78: {  	_ =	shalt  }
0x79: {  	_ =	shalt  }
0x7a: {  	_ =	shalt  }
0x7b: {  	_ =	shalt  }
0x7c: {  	_ =	shalt  }
0x7d: {  	_ =	shalt  }
0x7e: {  	_ =	shalt  }
0x7f: {  	_ =	shalt  }
0x80: {  	_ =	shalt  }
0x81: {  	_ =	shalt  }
0x82: {  	_ =	shalt  }
0x83: {  	_ =	shalt  }
0x84: {  	_ =	shalt  }
0x85: {  	_ =	shalt  }
0x86: {  	_ =	shalt  }
0x87: {  	_ =	shalt  }
.Lfunc_end0:
.L_simem_size_0:
called_computation.3_lowered:
.L_overlay_start_0:
0x88: {  	s2 =	sld [smem:$0x3FD9]  }
0x89: {  	s3 =	sld [smem:$0x3FFE];
	_ =	sdelay $0x1  }
0x8a: {  	s1 =	srdreg.scid  }
0x8b: {  	s0 =	sand.u32 $0x1, s1  }
0x8c: {  	s17 =	sshll.u32 s0, $0xA;
	s2 =	sadd.s32 s3, s2  }
0x8d: {  	s2 =	sadd.s32 s2, s17  }
0x8e: {  	[smem:$0x3FBD] =	sst s2  }
0x8f: {  	_ = 	snop  }
0x90: {  	s2 =	sld [smem:$0x3FD0];
	(tm) =	ssettm $0x1  }
0x91: {  	s18 =	sld [smem:$0x3FFB];
	_ =	sdelay $0x3  }
0x92: {  	_ =	strace s18  }
0x93: {  	s3 =	sld [smem:$0x3FFC];
	_ =	sdelay $0x3  }
0x94: {  	_ =	strace s3  }
0x95: {  	s3 =	sld [smem:$0x3FFD];
	_ =	sdelay $0x3  }
0x96: {  	_ =	strace s3  }
0x97: {  	_ =	strace $0x8FFFFFFF  }
0x98: {  	s19 =	sld [smem:$0x3FDB];
	_ =	sdelay $0x1  }
0x99: {  	s4 =	simm.s32 $_scs_section_size  }
0x9a: {  	s5 =	simm.s32 $_size__tile_overlayer_lowered;
	s6 =	simm.s32 $_tile_overlayer_lowered  }
0x9b: {  	s22 =	simm.s32 $0x1BFF;
	s21 =	sshll.u32 s6, $0x1;
	s3 =	sadd.s32 s4, s19  }
0x9c: {  	s7 =	simm.s32 $0x0;
	s20 =	sshll.u32 s5, $0x1;
	s5 =	sadd.s32 s21, s3  }
0x9d: {  	[timem:s7], [sflag:s22] =	dma.local [hbm:s5], s20  }
0x9e: {  	_ =	swait.ge [sflag:s22], s20  }
0x9f: {  	s4 =	ssub.s32 $0x0, s20;
	[sflag:s22] =	ssyncset.done $0x0  }
0xa0: {  	[sflag:s22] =	ssyncadd.s32 s4;
	_ =	sdelay $0x1  }
0xa1: {  	s23 =	simm.s32 $0x1B8B  }
0xa2: {  	_ =	swait.ge [sflag:s23], $0x1  }
0xa3: {  	[sflag:s23] =	ssyncset.done $0x0  }
0xa4: {  	s25 =	simm.s32 $0x1B8E;
	s24 =	sld [smem:$0x3FFE];
	[sflag:s23] =	ssyncadd.s32 $0xFFFFFFFF  }
0xa5: {  	s26 =	simm.s32 $execute0_lowered;
	[smem:$0x3FD2] =	sst s25  }
0xa6: {  	s5 =	sshll.u32 s26, $0x1;
	_ =	strace $0x8000004F;
	[dreg:$0x1] =	wrdreg $0xFFFFFFFF  }
0xa7: {  	s28 =	simm.s32 $_size_execute0_lowered;
	s3 =	sadd.s32 s3, s5;
	[dreg:$0x0] =	wrdreg $0x0  }
0xa8: {  	s5 =	sshll.u32 s28, $0x1;
	[dreg:$0x2] =	wrdreg s3  }
0xa9: {  	[dreg:$0x3] =	wrdreg s5  }
0xaa: {  	[dreg:$0x4] =	wrdreg $0xC0  }
0xab: {  	_ =	task [dreg:s7], $0x5FFFF  }
0xac: {  	[dreg:$0x1] =	wrdreg $0xFFFFFFFF  }
0xad: {  	[dreg:$0x0] =	wrdreg $0x60  }
0xae: {  	[dreg:$0x2] =	wrdreg s2  }
0xaf: {  	[dreg:$0x3] =	wrdreg s24  }
0xb0: {  	[dreg:$0x4] =	wrdreg $0x61000  }
0xb1: {  	[dreg:$0x5] =	wrdreg $0x9  }
0xb2: {  	_ =	task.clear_ibuf [dreg:s7], $0x6FFFF;
	_ =	strace $0x9000004F  }
0xb3: {  	s29 =	simm.s32 $0x9;
	_ =	strace $0x80000051  }
0xb4: {  	_ =	swait.ge [sflag:s29], $0x1  }
0xb5: {  	[sflag:s29] =	ssyncadd.s32 $0xFFFFFFFF  }
0xb6: {  	_ =	strace $0x90000051  }
0xb7: {  	_ =	sfence  }
0xb8: {  	s30 =	sld [smem:$0x0];
	_ =	sdelay $0x2  }
0xb9: {  	s31 =	sshll.u32 s1, $0xD;
	s1 =	sshrl.u32 s1, $0x2  }
0xba: {  	s3 =	sand.u32 $0x4000, s31;
	s1 =	sadd.s32 s1, s30  }
0xbb: {  	s0 =	sor.u32 s3, s0;
	s1 =	sshll.u32 s1, $0x11  }
0xbc: {  	s0 =	sor.u32 s1, s0  }
0xbd: {  	s0 =	sadd.s32 $0x8F2B, s0  }
0xbe: {  	[sflag:s0] =	ssyncadd.remote.s32 $0x1  }
0xbf: {  	_ =	sfence.sel $0xFFFF  }
0xc0: {  	[dreg:$0x0] =	wrdreg $0xFFFFFFFF;
	(pc) =	sbr.abs _section_cstart, $3  }
0xc1: {  	[dreg:$0x1] =	wrdreg $0xFFFFFFFF  }
0xc2: {  	_ =	task.clear_ibuf [dreg:s7], $0x2FFFF;
	_ =	strace $0x9FFFFFFF  }
0xc3: {  	(tm) =	ssettm $0x7FFFFFFF  }
tec
execute0_lowered:
.L_overlay_start_1:
0x0: {  	(tag) =	ssettag $0x1  }
0x1: {  	s16 =	rddreg [dreg:$0x0]  }
0x2: {  	s5 =	rddreg [dreg:$0x1]  }
0x3: {  	s2 =	rddreg [dreg:$0x2]  }
0x4: {  	s0 =	rddreg [dreg:$0x3]  }
0x5: {  	s1 =	stileid.u32;
	s4 =	srdreg.scid  }
0x6: {  	s3 =	simm.s32 $0x0;
	s21 =	simm.s32 $0x80;
	s17 =	smul.u32 $0x9E0, s1  }
0x7: {  	s22 =	simm.s32 $0x100;
	s23 =	simm.s32 $0x1;
	s6 =	smul.u32 $0x2800, s1  }
0x8: {  	s24 =	simm.s32 $0x0;
	s12 =	sand.u32 $0x1, s4;
	s8 =	smul.u32 $0x50000, s1  }
0x9: {  	[smem:$0x7FF] =	sst s3;
	s4 =	sadd.s32 $0xCE00, s5;
	s7 =	smul.u32 $0x28000, s12  }
0xa: {  	_ =	strace $0x80000050;
	s30 =	ssub.s32 $0x2, s12;
	s19 =	smul.u32 $0x4F0, s12  }
0xb: {  	s18 =	sadd.s32 s17, s5;
	s31 =	sshrl.u32 s30, $0x1;
	s8 =	sshrl.u32 s8, $0x2  }
0xc: {  	s20 =	sadd.s32 s17, s16;
	s6 =	sadd.s32 s6, s7;
	s7 =	ssub.s32 s30, s31  }
0xd: {  	s18 =	sadd.s32 s19, s18;
	s6 =	sadd.s32 s6, s5;
	s5 =	sadd.s32 s8, s2  }
0xe: {  	s7 =	smax.u32 s7, $0x1;
	s17 =	sadd.s32 $0x3000, s18;
	s18 =	sadd.s32 s19, s20  }
0xf: {  	s19 =	simm.s32 $0x4100;
	s20 =	simm.s32 $0x2;
	s6 =	sadd.s32 $0x34000, s6  }
0x10: {  	s8 =	sadd.s32 $0x2000, s5;
	s9 =	sadd.s32 $0x4000, s5;
	s10 =	sadd.s32 $0x6000, s5  }
0x11: {  	s11 =	sadd.s32 $0x8000, s5;
	s12 =	sadd.s32 $0xA000, s5;
	s13 =	sadd.s32 $0xC000, s5  }
0x12: {  	v0 =	vimm.f32 $0.0e+00;
	s14 =	sadd.s32 $0xE000, s5;
	s15 =	sadd.s32 $0x10000, s5;
	s16 =	sadd.s32 $0x12000, s5  }
.LBB2_1:
0x13: {  	s25 =	simm.s32 $0x0;
	s26 =	simm.s32 $0x200  }
.LBB2_2:
0x14: {  	p0 =	sne.s32 s26, $0x7E00;
	[tilespmem:s25+$0x4170] =	vst v0  }
0x15: {  	[tilespmem:s25+$0x4100] =	vst v0  }
0x16: {  	[tilespmem:s25+$0x4110] =	vst v0  }
.Ltmp0:
0x17: {  	[tilespmem:s25+$0x4120] =	vst v0;
	(pc) =	sbr.rel @p0 .LBB2_2-.Ltmp0, $4  }
0x18: {  	[tilespmem:s25+$0x4130] =	vst v0  }
0x19: {  	[tilespmem:s25+$0x4140] =	vst v0  }
0x1a: {  	[tilespmem:s25+$0x4150] =	vst v0  }
0x1b: {  	[tilespmem:s25+$0x4160] =	vst v0;
	s25 =	sshra.s32 s26, $0x2;
	s26 =	sadd.s32 $0x200, s26  }
0x1c: {  	[tilespmem:s25+$0x4170] =	vst v0  }
0x1d: {  	[tilespmem:s25+$0x4100] =	vst v0  }
0x1e: {  	[tilespmem:s25+$0x4110] =	vst v0  }
0x1f: {  	[tilespmem:s25+$0x4120] =	vst v0  }
0x20: {  	[tilespmem:s25+$0x4130] =	vst v0  }
0x21: {  	[tilespmem:s25+$0x4140] =	vst v0  }
0x22: {  	[tilespmem:s25+$0x4150] =	vst v0  }
0x23: {  	[tilespmem:s25+$0x4160] =	vst v0  }
0x24: {  	[spmem:s5] =	stream.linear.scatter [tilespmem:s19], [sflag:$0x2], $0x2000, $0x38;
	[tilespmem:$0x1A100] =	vst v63  }
0x25: {  	_ =	swait.ge [sflag:s20], $0x2000  }
0x26: {  	[sflag:s20] =	ssyncset.done $0x0  }
0x27: {  	[sflag:s20] =	ssyncadd.s32 $0xFFFFE000  }
0x28: {  	[spmem:s8] =	stream.linear.scatter [tilespmem:s19], [sflag:$0x2], $0x2000, $0x38;
	[tilespmem:$0x1A100] =	vst v63  }
0x29: {  	_ =	swait.ge [sflag:s20], $0x2000  }
0x2a: {  	[sflag:s20] =	ssyncset.done $0x0  }
0x2b: {  	[sflag:s20] =	ssyncadd.s32 $0xFFFFE000  }
0x2c: {  	[spmem:s9] =	stream.linear.scatter [tilespmem:s19], [sflag:$0x2], $0x2000, $0x38;
	[tilespmem:$0x1A100] =	vst v63  }
0x2d: {  	_ =	swait.ge [sflag:s20], $0x2000  }
0x2e: {  	[sflag:s20] =	ssyncset.done $0x0  }
0x2f: {  	[sflag:s20] =	ssyncadd.s32 $0xFFFFE000  }
0x30: {  	[spmem:s10] =	stream.linear.scatter [tilespmem:s19], [sflag:$0x2], $0x2000, $0x38;
	[tilespmem:$0x1A100] =	vst v63  }
0x31: {  	_ =	swait.ge [sflag:s20], $0x2000  }
0x32: {  	[sflag:s20] =	ssyncset.done $0x0  }
0x33: {  	[sflag:s20] =	ssyncadd.s32 $0xFFFFE000  }
0x34: {  	[spmem:s11] =	stream.linear.scatter [tilespmem:s19], [sflag:$0x2], $0x2000, $0x38;
	[tilespmem:$0x1A100] =	vst v63  }
0x35: {  	_ =	swait.ge [sflag:s20], $0x2000  }
0x36: {  	[sflag:s20] =	ssyncset.done $0x0  }
0x37: {  	[sflag:s20] =	ssyncadd.s32 $0xFFFFE000  }
0x38: {  	[spmem:s12] =	stream.linear.scatter [tilespmem:s19], [sflag:$0x2], $0x2000, $0x38;
	[tilespmem:$0x1A100] =	vst v63  }
0x39: {  	_ =	swait.ge [sflag:s20], $0x2000  }
0x3a: {  	[sflag:s20] =	ssyncset.done $0x0  }
0x3b: {  	[sflag:s20] =	ssyncadd.s32 $0xFFFFE000  }
0x3c: {  	[spmem:s13] =	stream.linear.scatter [tilespmem:s19], [sflag:$0x2], $0x2000, $0x38;
	[tilespmem:$0x1A100] =	vst v63  }
0x3d: {  	_ =	swait.ge [sflag:s20], $0x2000  }
0x3e: {  	[sflag:s20] =	ssyncset.done $0x0  }
0x3f: {  	[sflag:s20] =	ssyncadd.s32 $0xFFFFE000  }
0x40: {  	[spmem:s14] =	stream.linear.scatter [tilespmem:s19], [sflag:$0x2], $0x2000, $0x38;
	[tilespmem:$0x1A100] =	vst v63  }
0x41: {  	_ =	swait.ge [sflag:s20], $0x2000  }
0x42: {  	[sflag:s20] =	ssyncset.done $0x0  }
0x43: {  	[sflag:s20] =	ssyncadd.s32 $0xFFFFE000  }
0x44: {  	[spmem:s15] =	stream.linear.scatter [tilespmem:s19], [sflag:$0x2], $0x2000, $0x38;
	[tilespmem:$0x1A100] =	vst v63  }
0x45: {  	_ =	swait.ge [sflag:s20], $0x2000  }
0x46: {  	[sflag:s20] =	ssyncset.done $0x0  }
0x47: {  	[sflag:s20] =	ssyncadd.s32 $0xFFFFE000  }
0x48: {  	[spmem:s16] =	stream.linear.scatter [tilespmem:s19], [sflag:$0x2], $0x2000, $0x38;
	[tilespmem:$0x1A100] =	vst v63  }
0x49: {  	_ =	swait.ge [sflag:s20], $0x2000  }
0x4a: {  	[sflag:s20] =	ssyncset.done $0x0  }
0x4b: {  	[sflag:s20] =	ssyncadd.s32 $0xFFFFE000  }
0x4c: {  	s30 =	sadd.s32 $0x0, s18;
	[bflag:$0x0] =	sbarrier.arrive $0xFFFF  }
0x4d: {  	[tilespmem:s3], [sflag:$0x2] =	stream.linear.gather [hbm4b:s30+s3], $0x80, $0x38;
	[tilespmem:$0x1A100] =	vst v63  }
0x4e: {  	_ =	swait.ge [sflag:s20], $0x80  }
0x4f: {  	[sflag:s20] =	ssyncset.done $0x0  }
0x50: {  	s31 =	sadd.s32 $0x0, s17;
	[sflag:s20] =	ssyncadd.s32 $0xFFFFFF80  }
0x51: {  	[tilespmem:s21], [sflag:$0x2] =	stream.linear.gather [hbm4b:s31+s3], $0x80, $0x38;
	[tilespmem:$0x1A100] =	vst v63  }
0x52: {  	_ =	swait.ge [sflag:s20], $0x80  }
0x53: {  	[sflag:s20] =	ssyncset.done $0x0  }
0x54: {  	[sflag:s20] =	ssyncadd.s32 $0xFFFFFF80  }
0x55: {  	[tilespmem:s22], [sflag:$0x1] =	stream.indirect.gather [hbm4b:s4+s21], $0x80, s3, s21, $0xb8;
	[tilespmem:$0x1A100] =	vst v63  }
0x56: {  	_ =	swait.ge [sflag:s23], $0x4000  }
0x57: {  	[sflag:s23] =	ssyncset.done $0x0  }
0x58: {  	[sflag:s23] =	ssyncadd.s32 $0xFFFFC000  }
0x59: {  	[spmem:s2] =	stream.indirect.scatter.add.f32 [tilespmem:s22], [sflag:$0x2], $0x80, s21, s21, $0xb8;
	[tilespmem:$0x1A100] =	vst v63  }
0x5a: {  	_ =	swait.ge [sflag:s20], $0x4000  }
0x5b: {  	s25 =	simm.s32 $0x10;
	s26 =	simm.s32 $0x20;
	[sflag:s20] =	ssyncset.done $0x0  }
.LBB2_4:
0x5c: {  	s28 =	sadd.s32 s25, s18  }
0x5d: {  	[sflag:s20] =	ssyncadd.s32 $0xFFFFC000;
	s29 =	smov.u32 s26;
	s30 =	sadd.s32 $0x10, s26  }
0x5e: {  	[tilespmem:s3], [sflag:$0x2] =	stream.linear.gather [hbm4b:s28+s3], $0x80, $0x38;
	[tilespmem:$0x1A100] =	vst v63  }
0x5f: {  	p0 =	sne.s32 s26, $0x4E0;
	_ =	swait.ge [sflag:s20], $0x80  }
0x60: {  	[sflag:s20] =	ssyncset.done $0x0  }
0x61: {  	s26 =	sadd.s32 s25, s17;
	s25 =	smov.u32 s29;
	[sflag:s20] =	ssyncadd.s32 $0xFFFFFF80  }
0x62: {  	[tilespmem:s21], [sflag:$0x2] =	stream.linear.gather [hbm4b:s26+s3], $0x80, $0x38;
	[tilespmem:$0x1A100] =	vst v63  }
0x63: {  	_ =	swait.ge [sflag:s20], $0x80  }
0x64: {  	[sflag:s20] =	ssyncset.done $0x0  }
0x65: {  	[sflag:s20] =	ssyncadd.s32 $0xFFFFFF80  }
0x66: {  	[tilespmem:s22], [sflag:$0x1] =	stream.indirect.gather [hbm4b:s4+s21], $0x80, s3, s21, $0xb8;
	[tilespmem:$0x1A100] =	vst v63  }
0x67: {  	_ =	swait.ge [sflag:s23], $0x4000  }
.Ltmp1:
0x68: {  	[sflag:s23] =	ssyncset.done $0x0;
	(pc) =	sbr.rel @p0 .LBB2_4-.Ltmp1, $4  }
0x69: {  	[sflag:s23] =	ssyncadd.s32 $0xFFFFC000  }
0x6a: {  	[spmem:s2] =	stream.indirect.scatter.add.f32 [tilespmem:s22], [sflag:$0x2], $0x80, s21, s21, $0xb8;
	[tilespmem:$0x1A100] =	vst v63  }
0x6b: {  	_ =	swait.ge [sflag:s20], $0x4000  }
0x6c: {  	s26 =	smov.u32 s30;
	[sflag:s20] =	ssyncset.done $0x0  }
0x6d: {  	s26 =	sadd.s32 s25, s18;
	[sflag:s20] =	ssyncadd.s32 $0xFFFFC000  }
0x6e: {  	[tilespmem:s3], [sflag:$0x2] =	stream.linear.gather [hbm4b:s26+s3], $0x80, $0x38;
	[tilespmem:$0x1A100] =	vst v63  }
0x6f: {  	_ =	swait.ge [sflag:s20], $0x80  }
0x70: {  	[sflag:s20] =	ssyncset.done $0x0  }
0x71: {  	s29 =	sadd.s32 s25, s17;
	[sflag:s20] =	ssyncadd.s32 $0xFFFFFF80  }
0x72: {  	[tilespmem:s21], [sflag:$0x2] =	stream.linear.gather [hbm4b:s29+s3], $0x80, $0x38;
	[tilespmem:$0x1A100] =	vst v63  }
0x73: {  	_ =	swait.ge [sflag:s20], $0x80  }
0x74: {  	[sflag:s20] =	ssyncset.done $0x0  }
0x75: {  	[sflag:s20] =	ssyncadd.s32 $0xFFFFFF80  }
0x76: {  	[tilespmem:s22], [sflag:$0x1] =	stream.indirect.gather [hbm4b:s4+s21], $0x80, s3, s21, $0xb8;
	[tilespmem:$0x1A100] =	vst v63  }
0x77: {  	_ =	swait.ge [sflag:s23], $0x4000  }
0x78: {  	[sflag:s23] =	ssyncset.done $0x0  }
0x79: {  	[sflag:s23] =	ssyncadd.s32 $0xFFFFC000  }
0x7a: {  	[spmem:s2] =	stream.indirect.scatter.add.f32 [tilespmem:s22], [sflag:$0x2], $0x80, s21, s21, $0xb8;
	[tilespmem:$0x1A100] =	vst v63  }
0x7b: {  	_ =	swait.ge [sflag:s20], $0x4000  }
0x7c: {  	s30 =	sshll.u32 s1, $0x6;
	s24 =	sadd.s32 $0x1, s24;
	[sflag:s20] =	ssyncset.done $0x0  }
0x7d: {  	s31 =	sshrl.u32 s5, $0x3;
	p0 =	sne.s32 s24, s7;
	[sflag:s20] =	ssyncadd.s32 $0xFFFFC000  }
.Ltmp2:
0x7e: {  	s25 =	sor.u32 $0x1C02, s30;
	[bflag:$0x0] =	sbarrier.arrive $0xFFFF;
	(pc) =	sbr.rel @p0 .LBB2_1-.Ltmp2, $4  }
0x7f: {  	[hbm:s6], [sflag:s25] =	dma.local [spmem:s31], $0x2800  }
0x80: {  	_ =	swait.ge [sflag:s20], $0x2800  }
0x81: {  	[sflag:s20] =	ssyncset.done $0x0  }
0x82: {  	[sflag:s20] =	ssyncadd.s32 $0xFFFFD800  }
0x83: {  	_ =	sfence.sel $0x180000  }
0x84: {  	[bflag:$0x0] =	sbarrier.arrive $0xFFFF  }
0x85: {  	p0 =	sne.s32 s1, $0x0;
	_ =	strace $0x90000050  }
0x86: {  	s0 =	sadd.s32 @!p0 $0x100000, s0;
	[bflag:$0x2] =	sbarrier.arrive $0xFFFF  }
0x87: {  	[sflag:s0] =	ssyncadd.tile.s32 @!p0 $0x1;
	_ =	shalt  }
.Lfunc_end2:
_tile_overlayer_lowered:
.L_overlay_start_2:
0x88: {  	(tag) =	ssettag $0x2  }
0x89: {  	s0 =	rddreg [dreg:$0x0];
	s2 =	stileid.u32  }
0x8a: {  	s1 =	rddreg [dreg:$0x1];
	p0 =	sne.s32 s2, $0x0  }
0x8b: {  	s3 =	rddreg [dreg:$0x2];
	[bflag:$0x3] =	sbarrier.arrive $0xFFFF;
	s2 =	simm.s32 @!p0 $0x1C02  }
0x8c: {  	[timem:s3], [sflag:s2] =	dma.local @!p0 [hbm:s0], s1  }
0x8d: {  	s0 =	simm.s32 @!p0 $0x2  }
0x8e: {  	_ =	swait.ge @!p0 [sflag:s0], s1  }
0x8f: {  	s1 =	ssub.s32 @!p0 $0x0, s1;
	[sflag:s0] =	ssyncset.done @!p0 $0x0  }
0x90: {  	[sflag:s0] =	ssyncadd.s32 @!p0 s1  }
0x91: {  	[bflag:$0x3] =	sbarrier.arrive $0xFFFF  }
0x92: {  	_ =	shalt  }

</sc_bundles>
